<compile_context>
chip_gen: v7x
topology: tpu7x:2x2x1
jax: 0.10.2.dev20260603
libtpu: 0.0.44.dev20260713+nightly
codegen_flags: <defaults>
</compile_context>

<pallas_src>
import functools

import jax
import jax.numpy as jnp
from jax import lax
from jax.experimental import pallas as pl
from jax.experimental.pallas import tpu as pltpu
from jax.experimental.pallas import tpu_sc as plsc

_NC = 2
_NS = 16
_NW = _NC * _NS
_D = 128
_C = 128
_NBUF = 7
_WLAG = 1


def _make_lookup(B):
    assert B % (_NW * _C) == 0
    bpw = B // _NW
    nchunk = bpw // _C

    mesh = plsc.VectorSubcoreMesh(core_axis_name="c", subcore_axis_name="s")

    @functools.partial(
        pl.kernel,
        mesh=mesh,
        out_type=jax.ShapeDtypeStruct((B, _D), jnp.float32),
        scratch_types=[
            pltpu.VMEM((bpw,), jnp.int32),
            pltpu.VMEM((_NBUF, _C, _D), jnp.float32),
        ] + [pltpu.SemaphoreType.DMA] * (2 * _NBUF),
    )
    def lookup(idx_hbm, tab_hbm, out_hbm, idx_v, rows_v, *sems):
        sem_g, sem_w = sems[:_NBUF], sems[_NBUF:]
        wid = lax.axis_index("s") * _NC + lax.axis_index("c")
        base = wid * bpw
        pltpu.sync_copy(idx_hbm.at[pl.ds(base, bpw)], idx_v)

        def start_gather(j, b):
            pltpu.async_copy(
                tab_hbm.at[idx_v.at[pl.ds(j * _C, _C)]], rows_v.at[b],
                sem_g[b])

        def wait_gather(b):
            pltpu.make_async_copy(
                tab_hbm.at[pl.ds(0, _C)], rows_v.at[b], sem_g[b]).wait()

        def wait_write(b):
            pltpu.make_async_copy(
                rows_v.at[b], out_hbm.at[pl.ds(0, _C)], sem_w[b]).wait()

        for b in range(_NBUF):
            start_gather(b, b)

        @pl.loop(0, nchunk, step=_NBUF)
        def _iter(j0):
            for p in range(_NBUF):
                j = j0 + p

                @pl.when(j < nchunk)
                def _consume():
                    wait_gather(p)
                    h = _C // 2
                    pltpu.async_copy(
                        rows_v.at[p, pl.ds(0, h)],
                        out_hbm.at[pl.ds(base + j * _C, h)], sem_w[p])
                    pltpu.async_copy(
                        rows_v.at[p, pl.ds(h, h)],
                        out_hbm.at[pl.ds(base + j * _C + h, h)], sem_w[p])

                jn = j + _NBUF - _WLAG
                br = (p - _WLAG) % _NBUF

                @pl.when(jnp.logical_and(jn >= _NBUF, jn < nchunk))
                def _refill():
                    wait_write(br)
                    start_gather(jn, br)

        for b in range(_NBUF):
            wait_write(b)

    return lookup


def kernel(input, weights):
    b, s = input.shape
    flat_idx = input.reshape(b * s).astype(jnp.int32)
    out = _make_lookup(b * s)(flat_idx, weights)
    return out.reshape(b, s, weights.shape[1])

# --- scband reference (transcript-rebuilt; emitter-appended) ---
"""Pipeline reference for scband-embedding-tile-layout-module-5634997092579 (READ-ONLY COPY).

The authoritative reference and input builder live on the scoring server;
editing this copy changes nothing except your own understanding.
"""

import jax, jax.numpy as jnp
import numpy as np

def setup_inputs(seed: int = 0) -> dict:
    key = jax.random.key(seed)
    k1, k2 = jax.random.split(key)
    input = jax.random.randint(k1, (4096, 50), 0, 100000, dtype=jnp.int64 if jax.config.jax_enable_x64 else jnp.int32)
    weights = jax.random.normal(k2, (100000, 128), dtype=jnp.float32)
    return {"input": input, "weights": weights}

def reference(input, weights):
    # torch.nn.functional.embedding(input, weights) == row gather
    return jnp.take(weights, input, axis=0)

if __name__ == "__main__":
    import jax
    _d = setup_inputs()
    print(jax.jit(kernel)(*tuple(_d.values())))

</pallas_src>

<mosaic_0001>
#map = affine_map<(d0, d1) -> (0)>
#map1 = affine_map<(d0, d1) -> (0, 0)>
module attributes {stable_mosaic.version = 14 : i64} {
  func.func @lookup(%arg0: i32, %arg1: i32, %arg2: memref<204800xi32, #tpu.memory_space<hbm>>, %arg3: memref<100000x128xf32, #tpu.memory_space<hbm>>, %arg4: memref<204800x128xf32, #tpu.memory_space<hbm>>, %arg5: memref<6400xi32, #tpu.memory_space<vmem>>, %arg6: memref<7x128x128xf32, #tpu.memory_space<vmem>>, %arg7: memref<!tpu.dma_semaphore, #tpu.memory_space<semaphore_mem>>, %arg8: memref<!tpu.dma_semaphore, #tpu.memory_space<semaphore_mem>>, %arg9: memref<!tpu.dma_semaphore, #tpu.memory_space<semaphore_mem>>, %arg10: memref<!tpu.dma_semaphore, #tpu.memory_space<semaphore_mem>>, %arg11: memref<!tpu.dma_semaphore, #tpu.memory_space<semaphore_mem>>, %arg12: memref<!tpu.dma_semaphore, #tpu.memory_space<semaphore_mem>>, %arg13: memref<!tpu.dma_semaphore, #tpu.memory_space<semaphore_mem>>, %arg14: memref<!tpu.dma_semaphore, #tpu.memory_space<semaphore_mem>>, %arg15: memref<!tpu.dma_semaphore, #tpu.memory_space<semaphore_mem>>, %arg16: memref<!tpu.dma_semaphore, #tpu.memory_space<semaphore_mem>>, %arg17: memref<!tpu.dma_semaphore, #tpu.memory_space<semaphore_mem>>, %arg18: memref<!tpu.dma_semaphore, #tpu.memory_space<semaphore_mem>>, %arg19: memref<!tpu.dma_semaphore, #tpu.memory_space<semaphore_mem>>, %arg20: memref<!tpu.dma_semaphore, #tpu.memory_space<semaphore_mem>>) attributes {dimension_semantics = [#tpu.dimension_semantics<core_parallel>, #tpu.dimension_semantics<subcore_parallel>], iteration_bounds = array<i64: 2, 16>, scalar_prefetch = 0 : i64, scratch_operands = 16 : i64, tpu.core_type = #tpu.core_type<sc_vector_subcore>, window_params = [{transform_indices = #map}, {transform_indices = #map1}, {transform_indices = #map1}]} {
    %mul3A = arith.constant 2 : i32
    %mul3A_0 = arith.muli %arg1, %mul3A : i32
    %add3A = arith.addi %mul3A_0, %arg0 : i32
    %mul3A_1 = arith.constant 6400 : i32
    %mul3A_2 = arith.muli %add3A, %mul3A_1 : i32
    "tpu.region"() ({
      %run_scoped3A = tpu.sem_alloc : memref<!tpu.dma_semaphore, #tpu.memory_space<semaphore_mem>>
      %dma_start3A_180 = tpu.memref_slice %arg2[%mul3A_2] : memref<204800xi32, #tpu.memory_space<hbm>> -> memref<6400xi32, #tpu.memory_space<hbm>>
      %dma_start3A_181 = tpu.memref_slice %arg2[%mul3A_2] : memref<204800xi32, #tpu.memory_space<hbm>> -> memref<6400xi32, #tpu.memory_space<hbm>>
      tpu.enqueue_dma source(%dma_start3A_181 : memref<6400xi32, #tpu.memory_space<hbm>>) target(%arg5 : memref<6400xi32, #tpu.memory_space<vmem>>) target_semaphore(%run_scoped3A : memref<!tpu.dma_semaphore, #tpu.memory_space<semaphore_mem>>)
      %dma_wait3A_182 = tpu.memref_slice %arg2[%mul3A_2] : memref<204800xi32, #tpu.memory_space<hbm>> -> memref<6400xi32, #tpu.memory_space<hbm>>
      %dma_wait3A_183 = tpu.memref_slice %arg2[%mul3A_2] : memref<204800xi32, #tpu.memory_space<hbm>> -> memref<6400xi32, #tpu.memory_space<hbm>>
      tpu.wait_dma2 semaphore(%run_scoped3A : memref<!tpu.dma_semaphore, #tpu.memory_space<semaphore_mem>>) src(%dma_wait3A_183 : memref<6400xi32, #tpu.memory_space<hbm>>) dst(%arg5 : memref<6400xi32, #tpu.memory_space<vmem>>)
      tpu.yield
    }) : () -> ()
    %dma_start3A = arith.constant 0 : i32
    %dma_start3A_3 = arith.constant 0 : i32
    %dma_start3A_4 = arith.constant 0 : i32
    %dma_start3A_5 = tpu.memref_slice %arg6[%dma_start3A, %dma_start3A_3, %dma_start3A_4] : memref<7x128x128xf32, #tpu.memory_space<vmem>> -> memref<1x128x128xf32, #tpu.memory_space<vmem>>
    %dma_start3A_6 = tpu.memref_squeeze %dma_start3A_5 : memref<1x128x128xf32, #tpu.memory_space<vmem>> -> memref<128x128xf32, #tpu.memory_space<vmem>>
    %dma_start3A_7 = arith.constant 0 : i32
    %dma_start3A_8 = tpu.memref_slice %arg5[%dma_start3A_7] : memref<6400xi32, #tpu.memory_space<vmem>> -> memref<128xi32, #tpu.memory_space<vmem>>
    %dma_start3A_9 = arith.constant 0 : i32
    %dma_start3A_10 = arith.constant 0 : i32
    %dma_start3A_11 = tpu.memref_slice %arg3[%dma_start3A_9, %dma_start3A_10] : memref<100000x128xf32, #tpu.memory_space<hbm>> -> memref<100000x128xf32, #tpu.memory_space<hbm>>
    tpu.enqueue_indirect_dma source(%dma_start3A_11 : memref<100000x128xf32, #tpu.memory_space<hbm>>) target(%dma_start3A_6 : memref<128x128xf32, #tpu.memory_space<vmem>>) offsets(%dma_start3A_8 : memref<128xi32, #tpu.memory_space<vmem>>) semaphore(%arg7 : memref<!tpu.dma_semaphore, #tpu.memory_space<semaphore_mem>>)
    %dma_start3A_12 = arith.constant 1 : i32
    %dma_start3A_13 = arith.constant 0 : i32
    %dma_start3A_14 = arith.constant 0 : i32
    %dma_start3A_15 = tpu.memref_slice %arg6[%dma_start3A_12, %dma_start3A_13, %dma_start3A_14] : memref<7x128x128xf32, #tpu.memory_space<vmem>> -> memref<1x128x128xf32, #tpu.memory_space<vmem>>
    %dma_start3A_16 = tpu.memref_squeeze %dma_start3A_15 : memref<1x128x128xf32, #tpu.memory_space<vmem>> -> memref<128x128xf32, #tpu.memory_space<vmem>>
    %dma_start3A_17 = arith.constant 128 : i32
    %dma_start3A_18 = tpu.memref_slice %arg5[%dma_start3A_17] : memref<6400xi32, #tpu.memory_space<vmem>> -> memref<128xi32, #tpu.memory_space<vmem>>
    %dma_start3A_19 = arith.constant 0 : i32
    %dma_start3A_20 = arith.constant 0 : i32
    %dma_start3A_21 = tpu.memref_slice %arg3[%dma_start3A_19, %dma_start3A_20] : memref<100000x128xf32, #tpu.memory_space<hbm>> -> memref<100000x128xf32, #tpu.memory_space<hbm>>
    tpu.enqueue_indirect_dma source(%dma_start3A_21 : memref<100000x128xf32, #tpu.memory_space<hbm>>) target(%dma_start3A_16 : memref<128x128xf32, #tpu.memory_space<vmem>>) offsets(%dma_start3A_18 : memref<128xi32, #tpu.memory_space<vmem>>) semaphore(%arg8 : memref<!tpu.dma_semaphore, #tpu.memory_space<semaphore_mem>>)
    %dma_start3A_22 = arith.constant 2 : i32
    %dma_start3A_23 = arith.constant 0 : i32
    %dma_start3A_24 = arith.constant 0 : i32
    %dma_start3A_25 = tpu.memref_slice %arg6[%dma_start3A_22, %dma_start3A_23, %dma_start3A_24] : memref<7x128x128xf32, #tpu.memory_space<vmem>> -> memref<1x128x128xf32, #tpu.memory_space<vmem>>
    %dma_start3A_26 = tpu.memref_squeeze %dma_start3A_25 : memref<1x128x128xf32, #tpu.memory_space<vmem>> -> memref<128x128xf32, #tpu.memory_space<vmem>>
    %dma_start3A_27 = arith.constant 256 : i32
    %dma_start3A_28 = tpu.memref_slice %arg5[%dma_start3A_27] : memref<6400xi32, #tpu.memory_space<vmem>> -> memref<128xi32, #tpu.memory_space<vmem>>
    %dma_start3A_29 = arith.constant 0 : i32
    %dma_start3A_30 = arith.constant 0 : i32
    %dma_start3A_31 = tpu.memref_slice %arg3[%dma_start3A_29, %dma_start3A_30] : memref<100000x128xf32, #tpu.memory_space<hbm>> -> memref<100000x128xf32, #tpu.memory_space<hbm>>
    tpu.enqueue_indirect_dma source(%dma_start3A_31 : memref<100000x128xf32, #tpu.memory_space<hbm>>) target(%dma_start3A_26 : memref<128x128xf32, #tpu.memory_space<vmem>>) offsets(%dma_start3A_28 : memref<128xi32, #tpu.memory_space<vmem>>) semaphore(%arg9 : memref<!tpu.dma_semaphore, #tpu.memory_space<semaphore_mem>>)
    %dma_start3A_32 = arith.constant 3 : i32
    %dma_start3A_33 = arith.constant 0 : i32
    %dma_start3A_34 = arith.constant 0 : i32
    %dma_start3A_35 = tpu.memref_slice %arg6[%dma_start3A_32, %dma_start3A_33, %dma_start3A_34] : memref<7x128x128xf32, #tpu.memory_space<vmem>> -> memref<1x128x128xf32, #tpu.memory_space<vmem>>
    %dma_start3A_36 = tpu.memref_squeeze %dma_start3A_35 : memref<1x128x128xf32, #tpu.memory_space<vmem>> -> memref<128x128xf32, #tpu.memory_space<vmem>>
    %dma_start3A_37 = arith.constant 384 : i32
    %dma_start3A_38 = tpu.memref_slice %arg5[%dma_start3A_37] : memref<6400xi32, #tpu.memory_space<vmem>> -> memref<128xi32, #tpu.memory_space<vmem>>
    %dma_start3A_39 = arith.constant 0 : i32
    %dma_start3A_40 = arith.constant 0 : i32
    %dma_start3A_41 = tpu.memref_slice %arg3[%dma_start3A_39, %dma_start3A_40] : memref<100000x128xf32, #tpu.memory_space<hbm>> -> memref<100000x128xf32, #tpu.memory_space<hbm>>
    tpu.enqueue_indirect_dma source(%dma_start3A_41 : memref<100000x128xf32, #tpu.memory_space<hbm>>) target(%dma_start3A_36 : memref<128x128xf32, #tpu.memory_space<vmem>>) offsets(%dma_start3A_38 : memref<128xi32, #tpu.memory_space<vmem>>) semaphore(%arg10 : memref<!tpu.dma_semaphore, #tpu.memory_space<semaphore_mem>>)
    %dma_start3A_42 = arith.constant 4 : i32
    %dma_start3A_43 = arith.constant 0 : i32
    %dma_start3A_44 = arith.constant 0 : i32
    %dma_start3A_45 = tpu.memref_slice %arg6[%dma_start3A_42, %dma_start3A_43, %dma_start3A_44] : memref<7x128x128xf32, #tpu.memory_space<vmem>> -> memref<1x128x128xf32, #tpu.memory_space<vmem>>
    %dma_start3A_46 = tpu.memref_squeeze %dma_start3A_45 : memref<1x128x128xf32, #tpu.memory_space<vmem>> -> memref<128x128xf32, #tpu.memory_space<vmem>>
    %dma_start3A_47 = arith.constant 512 : i32
    %dma_start3A_48 = tpu.memref_slice %arg5[%dma_start3A_47] : memref<6400xi32, #tpu.memory_space<vmem>> -> memref<128xi32, #tpu.memory_space<vmem>>
    %dma_start3A_49 = arith.constant 0 : i32
    %dma_start3A_50 = arith.constant 0 : i32
    %dma_start3A_51 = tpu.memref_slice %arg3[%dma_start3A_49, %dma_start3A_50] : memref<100000x128xf32, #tpu.memory_space<hbm>> -> memref<100000x128xf32, #tpu.memory_space<hbm>>
    tpu.enqueue_indirect_dma source(%dma_start3A_51 : memref<100000x128xf32, #tpu.memory_space<hbm>>) target(%dma_start3A_46 : memref<128x128xf32, #tpu.memory_space<vmem>>) offsets(%dma_start3A_48 : memref<128xi32, #tpu.memory_space<vmem>>) semaphore(%arg11 : memref<!tpu.dma_semaphore, #tpu.memory_space<semaphore_mem>>)
    %dma_start3A_52 = arith.constant 5 : i32
    %dma_start3A_53 = arith.constant 0 : i32
    %dma_start3A_54 = arith.constant 0 : i32
    %dma_start3A_55 = tpu.memref_slice %arg6[%dma_start3A_52, %dma_start3A_53, %dma_start3A_54] : memref<7x128x128xf32, #tpu.memory_space<vmem>> -> memref<1x128x128xf32, #tpu.memory_space<vmem>>
    %dma_start3A_56 = tpu.memref_squeeze %dma_start3A_55 : memref<1x128x128xf32, #tpu.memory_space<vmem>> -> memref<128x128xf32, #tpu.memory_space<vmem>>
    %dma_start3A_57 = arith.constant 640 : i32
    %dma_start3A_58 = tpu.memref_slice %arg5[%dma_start3A_57] : memref<6400xi32, #tpu.memory_space<vmem>> -> memref<128xi32, #tpu.memory_space<vmem>>
    %dma_start3A_59 = arith.constant 0 : i32
    %dma_start3A_60 = arith.constant 0 : i32
    %dma_start3A_61 = tpu.memref_slice %arg3[%dma_start3A_59, %dma_start3A_60] : memref<100000x128xf32, #tpu.memory_space<hbm>> -> memref<100000x128xf32, #tpu.memory_space<hbm>>
    tpu.enqueue_indirect_dma source(%dma_start3A_61 : memref<100000x128xf32, #tpu.memory_space<hbm>>) target(%dma_start3A_56 : memref<128x128xf32, #tpu.memory_space<vmem>>) offsets(%dma_start3A_58 : memref<128xi32, #tpu.memory_space<vmem>>) semaphore(%arg12 : memref<!tpu.dma_semaphore, #tpu.memory_space<semaphore_mem>>)
    %dma_start3A_62 = arith.constant 6 : i32
    %dma_start3A_63 = arith.constant 0 : i32
    %dma_start3A_64 = arith.constant 0 : i32
    %dma_start3A_65 = tpu.memref_slice %arg6[%dma_start3A_62, %dma_start3A_63, %dma_start3A_64] : memref<7x128x128xf32, #tpu.memory_space<vmem>> -> memref<1x128x128xf32, #tpu.memory_space<vmem>>
    %dma_start3A_66 = tpu.memref_squeeze %dma_start3A_65 : memref<1x128x128xf32, #tpu.memory_space<vmem>> -> memref<128x128xf32, #tpu.memory_space<vmem>>
    %dma_start3A_67 = arith.constant 768 : i32
    %dma_start3A_68 = tpu.memref_slice %arg5[%dma_start3A_67] : memref<6400xi32, #tpu.memory_space<vmem>> -> memref<128xi32, #tpu.memory_space<vmem>>
    %dma_start3A_69 = arith.constant 0 : i32
    %dma_start3A_70 = arith.constant 0 : i32
    %dma_start3A_71 = tpu.memref_slice %arg3[%dma_start3A_69, %dma_start3A_70] : memref<100000x128xf32, #tpu.memory_space<hbm>> -> memref<100000x128xf32, #tpu.memory_space<hbm>>
    tpu.enqueue_indirect_dma source(%dma_start3A_71 : memref<100000x128xf32, #tpu.memory_space<hbm>>) target(%dma_start3A_66 : memref<128x128xf32, #tpu.memory_space<vmem>>) offsets(%dma_start3A_68 : memref<128xi32, #tpu.memory_space<vmem>>) semaphore(%arg13 : memref<!tpu.dma_semaphore, #tpu.memory_space<semaphore_mem>>)
    %scan3A = arith.constant 0 : i32
    %scan3A_72 = arith.constant 8 : i32
    %scan3A_73 = arith.addi %scan3A, %scan3A_72 : i32
    %scan3A_74 = arith.constant 1 : i32
    scf.for %scan3A_180 = %scan3A to %scan3A_73 step %scan3A_74  : i32 {
      %mul3A_181 = arith.constant 7 : i32
      %mul3A_182 = arith.muli %scan3A_180, %mul3A_181 : i32
      %add3A_183 = arith.constant 0 : i32
      %add3A_184 = arith.addi %add3A_183, %mul3A_182 : i32
      %add3A_185 = arith.constant 0 : i32
      %add3A_186 = arith.addi %add3A_184, %add3A_185 : i32
      %lt3A = arith.constant 50 : i32
      %lt3A_187 = arith.cmpi slt, %add3A_186, %lt3A : i32
      %convert_element_type3A = arith.extui %lt3A_187 : i1 to i32
      %cond3A = arith.constant 0 : i32
      %cond3A_188 = arith.cmpi ne, %convert_element_type3A, %cond3A : i32
      scf.if %cond3A_188 {
        %dma_wait3A_312 = arith.constant 0 : i32
        %dma_wait3A_313 = arith.constant 0 : i32
        %dma_wait3A_314 = arith.constant 0 : i32
        %dma_wait3A_315 = tpu.memref_slice %arg6[%dma_wait3A_312, %dma_wait3A_313, %dma_wait3A_314] : memref<7x128x128xf32, #tpu.memory_space<vmem>> -> memref<1x128x128xf32, #tpu.memory_space<vmem>>
        %dma_wait3A_316 = tpu.memref_squeeze %dma_wait3A_315 : memref<1x128x128xf32, #tpu.memory_space<vmem>> -> memref<128x128xf32, #tpu.memory_space<vmem>>
        %dma_wait3A_317 = arith.constant 0 : i32
        %dma_wait3A_318 = arith.constant 0 : i32
        %dma_wait3A_319 = tpu.memref_slice %arg3[%dma_wait3A_317, %dma_wait3A_318] : memref<100000x128xf32, #tpu.memory_space<hbm>> -> memref<128x128xf32, #tpu.memory_space<hbm>>
        %dma_wait3A_320 = arith.constant 0 : i32
        %dma_wait3A_321 = arith.constant 0 : i32
        %dma_wait3A_322 = tpu.memref_slice %arg6[%dma_wait3A_312, %dma_wait3A_320, %dma_wait3A_321] : memref<7x128x128xf32, #tpu.memory_space<vmem>> -> memref<1x128x128xf32, #tpu.memory_space<vmem>>
        %dma_wait3A_323 = tpu.memref_squeeze %dma_wait3A_322 : memref<1x128x128xf32, #tpu.memory_space<vmem>> -> memref<128x128xf32, #tpu.memory_space<vmem>>
        %dma_wait3A_324 = arith.constant 0 : i32
        %dma_wait3A_325 = arith.constant 0 : i32
        %dma_wait3A_326 = tpu.memref_slice %arg3[%dma_wait3A_324, %dma_wait3A_325] : memref<100000x128xf32, #tpu.memory_space<hbm>> -> memref<128x128xf32, #tpu.memory_space<hbm>>
        tpu.wait_dma2 semaphore(%arg7 : memref<!tpu.dma_semaphore, #tpu.memory_space<semaphore_mem>>) src(%dma_wait3A_326 : memref<128x128xf32, #tpu.memory_space<hbm>>) dst(%dma_wait3A_323 : memref<128x128xf32, #tpu.memory_space<vmem>>)
        %mul3A_327 = arith.constant 128 : i32
        %mul3A_328 = arith.muli %add3A_186, %mul3A_327 : i32
        %add3A_329 = arith.addi %mul3A_2, %mul3A_328 : i32
        %dma_start3A_330 = arith.constant 0 : i32
        %dma_start3A_331 = arith.constant 0 : i32
        %dma_start3A_332 = arith.constant 0 : i32
        %dma_start3A_333 = tpu.memref_slice %arg6[%dma_start3A_330, %dma_start3A_331, %dma_start3A_332] : memref<7x128x128xf32, #tpu.memory_space<vmem>> -> memref<1x64x128xf32, #tpu.memory_space<vmem>>
        %dma_start3A_334 = tpu.memref_squeeze %dma_start3A_333 : memref<1x64x128xf32, #tpu.memory_space<vmem>> -> memref<64x128xf32, #tpu.memory_space<vmem>>
        %dma_start3A_335 = arith.constant 0 : i32
        %dma_start3A_336 = tpu.memref_slice %arg4[%add3A_329, %dma_start3A_335] : memref<204800x128xf32, #tpu.memory_space<hbm>> -> memref<64x128xf32, #tpu.memory_space<hbm>>
        %dma_start3A_337 = arith.constant 0 : i32
        %dma_start3A_338 = tpu.memref_slice %arg4[%add3A_329, %dma_start3A_337] : memref<204800x128xf32, #tpu.memory_space<hbm>> -> memref<64x128xf32, #tpu.memory_space<hbm>>
        %dma_start3A_339 = arith.constant 0 : i32
        %dma_start3A_340 = arith.constant 0 : i32
        %dma_start3A_341 = tpu.memref_slice %arg6[%dma_start3A_330, %dma_start3A_339, %dma_start3A_340] : memref<7x128x128xf32, #tpu.memory_space<vmem>> -> memref<1x64x128xf32, #tpu.memory_space<vmem>>
        %dma_start3A_342 = tpu.memref_squeeze %dma_start3A_341 : memref<1x64x128xf32, #tpu.memory_space<vmem>> -> memref<64x128xf32, #tpu.memory_space<vmem>>
        tpu.enqueue_dma source(%dma_start3A_342 : memref<64x128xf32, #tpu.memory_space<vmem>>) target(%dma_start3A_338 : memref<64x128xf32, #tpu.memory_space<hbm>>) target_semaphore(%arg14 : memref<!tpu.dma_semaphore, #tpu.memory_space<semaphore_mem>>)
        %mul3A_343 = arith.constant 128 : i32
        %mul3A_344 = arith.muli %add3A_186, %mul3A_343 : i32
        %add3A_345 = arith.addi %mul3A_2, %mul3A_344 : i32
        %add3A_346 = arith.constant 64 : i32
        %add3A_347 = arith.addi %add3A_345, %add3A_346 : i32
        %dma_start3A_348 = arith.constant 0 : i32
        %dma_start3A_349 = arith.constant 64 : i32
        %dma_start3A_350 = arith.constant 0 : i32
        %dma_start3A_351 = tpu.memref_slice %arg6[%dma_start3A_348, %dma_start3A_349, %dma_start3A_350] : memref<7x128x128xf32, #tpu.memory_space<vmem>> -> memref<1x64x128xf32, #tpu.memory_space<vmem>>
        %dma_start3A_352 = tpu.memref_squeeze %dma_start3A_351 : memref<1x64x128xf32, #tpu.memory_space<vmem>> -> memref<64x128xf32, #tpu.memory_space<vmem>>
        %dma_start3A_353 = arith.constant 0 : i32
        %dma_start3A_354 = tpu.memref_slice %arg4[%add3A_347, %dma_start3A_353] : memref<204800x128xf32, #tpu.memory_space<hbm>> -> memref<64x128xf32, #tpu.memory_space<hbm>>
        %dma_start3A_355 = arith.constant 0 : i32
        %dma_start3A_356 = tpu.memref_slice %arg4[%add3A_347, %dma_start3A_355] : memref<204800x128xf32, #tpu.memory_space<hbm>> -> memref<64x128xf32, #tpu.memory_space<hbm>>
        %dma_start3A_357 = arith.constant 64 : i32
        %dma_start3A_358 = arith.constant 0 : i32
        %dma_start3A_359 = tpu.memref_slice %arg6[%dma_start3A_348, %dma_start3A_357, %dma_start3A_358] : memref<7x128x128xf32, #tpu.memory_space<vmem>> -> memref<1x64x128xf32, #tpu.memory_space<vmem>>
        %dma_start3A_360 = tpu.memref_squeeze %dma_start3A_359 : memref<1x64x128xf32, #tpu.memory_space<vmem>> -> memref<64x128xf32, #tpu.memory_space<vmem>>
        tpu.enqueue_dma source(%dma_start3A_360 : memref<64x128xf32, #tpu.memory_space<vmem>>) target(%dma_start3A_356 : memref<64x128xf32, #tpu.memory_space<hbm>>) target_semaphore(%arg14 : memref<!tpu.dma_semaphore, #tpu.memory_space<semaphore_mem>>)
      } else {
      }
      %add3A_189 = arith.constant 7 : i32
      %add3A_190 = arith.addi %add3A_186, %add3A_189 : i32
      %sub3A = arith.constant 1 : i32
      %sub3A_191 = arith.subi %add3A_190, %sub3A : i32
      %ge3A = arith.constant 7 : i32
      %ge3A_192 = arith.cmpi sge, %sub3A_191, %ge3A : i32
      %lt3A_193 = arith.constant 50 : i32
      %lt3A_194 = arith.cmpi slt, %sub3A_191, %lt3A_193 : i32
      %and3A = arith.andi %ge3A_192, %lt3A_194 : i1
      %convert_element_type3A_195 = arith.extui %and3A : i1 to i32
      %cond3A_196 = arith.constant 0 : i32
      %cond3A_197 = arith.cmpi ne, %convert_element_type3A_195, %cond3A_196 : i32
      scf.if %cond3A_197 {
        %dma_wait3A_312 = arith.constant 6 : i32
        %dma_wait3A_313 = arith.constant 0 : i32
        %dma_wait3A_314 = arith.constant 0 : i32
        %dma_wait3A_315 = tpu.memref_slice %arg6[%dma_wait3A_312, %dma_wait3A_313, %dma_wait3A_314] : memref<7x128x128xf32, #tpu.memory_space<vmem>> -> memref<1x128x128xf32, #tpu.memory_space<vmem>>
        %dma_wait3A_316 = tpu.memref_squeeze %dma_wait3A_315 : memref<1x128x128xf32, #tpu.memory_space<vmem>> -> memref<128x128xf32, #tpu.memory_space<vmem>>
        %dma_wait3A_317 = arith.constant 0 : i32
        %dma_wait3A_318 = arith.constant 0 : i32
        %dma_wait3A_319 = tpu.memref_slice %arg4[%dma_wait3A_317, %dma_wait3A_318] : memref<204800x128xf32, #tpu.memory_space<hbm>> -> memref<128x128xf32, #tpu.memory_space<hbm>>
        %dma_wait3A_320 = arith.constant 0 : i32
        %dma_wait3A_321 = arith.constant 0 : i32
        %dma_wait3A_322 = tpu.memref_slice %arg4[%dma_wait3A_320, %dma_wait3A_321] : memref<204800x128xf32, #tpu.memory_space<hbm>> -> memref<128x128xf32, #tpu.memory_space<hbm>>
        %dma_wait3A_323 = arith.constant 0 : i32
        %dma_wait3A_324 = arith.constant 0 : i32
        %dma_wait3A_325 = tpu.memref_slice %arg6[%dma_wait3A_312, %dma_wait3A_323, %dma_wait3A_324] : memref<7x128x128xf32, #tpu.memory_space<vmem>> -> memref<1x128x128xf32, #tpu.memory_space<vmem>>
        %dma_wait3A_326 = tpu.memref_squeeze %dma_wait3A_325 : memref<1x128x128xf32, #tpu.memory_space<vmem>> -> memref<128x128xf32, #tpu.memory_space<vmem>>
        tpu.wait_dma2 semaphore(%arg20 : memref<!tpu.dma_semaphore, #tpu.memory_space<semaphore_mem>>) src(%dma_wait3A_326 : memref<128x128xf32, #tpu.memory_space<vmem>>) dst(%dma_wait3A_322 : memref<128x128xf32, #tpu.memory_space<hbm>>)
        %mul3A_327 = arith.constant 128 : i32
        %mul3A_328 = arith.muli %sub3A_191, %mul3A_327 : i32
        %dma_start3A_329 = arith.constant 6 : i32
        %dma_start3A_330 = arith.constant 0 : i32
        %dma_start3A_331 = arith.constant 0 : i32
        %dma_start3A_332 = tpu.memref_slice %arg6[%dma_start3A_329, %dma_start3A_330, %dma_start3A_331] : memref<7x128x128xf32, #tpu.memory_space<vmem>> -> memref<1x128x128xf32, #tpu.memory_space<vmem>>
        %dma_start3A_333 = tpu.memref_squeeze %dma_start3A_332 : memref<1x128x128xf32, #tpu.memory_space<vmem>> -> memref<128x128xf32, #tpu.memory_space<vmem>>
        %dma_start3A_334 = tpu.memref_slice %arg5[%mul3A_328] : memref<6400xi32, #tpu.memory_space<vmem>> -> memref<128xi32, #tpu.memory_space<vmem>>
        %dma_start3A_335 = arith.constant 0 : i32
        %dma_start3A_336 = arith.constant 0 : i32
        %dma_start3A_337 = tpu.memref_slice %arg3[%dma_start3A_335, %dma_start3A_336] : memref<100000x128xf32, #tpu.memory_space<hbm>> -> memref<100000x128xf32, #tpu.memory_space<hbm>>
        tpu.enqueue_indirect_dma source(%dma_start3A_337 : memref<100000x128xf32, #tpu.memory_space<hbm>>) target(%dma_start3A_333 : memref<128x128xf32, #tpu.memory_space<vmem>>) offsets(%dma_start3A_334 : memref<128xi32, #tpu.memory_space<vmem>>) semaphore(%arg13 : memref<!tpu.dma_semaphore, #tpu.memory_space<semaphore_mem>>)
      } else {
      }
      %add3A_198 = arith.constant 1 : i32
      %add3A_199 = arith.addi %add3A_184, %add3A_198 : i32
      %lt3A_200 = arith.constant 50 : i32
      %lt3A_201 = arith.cmpi slt, %add3A_199, %lt3A_200 : i32
      %convert_element_type3A_202 = arith.extui %lt3A_201 : i1 to i32
      %cond3A_203 = arith.constant 0 : i32
      %cond3A_204 = arith.cmpi ne, %convert_element_type3A_202, %cond3A_203 : i32
      scf.if %cond3A_204 {
        %dma_wait3A_312 = arith.constant 1 : i32
        %dma_wait3A_313 = arith.constant 0 : i32
        %dma_wait3A_314 = arith.constant 0 : i32
        %dma_wait3A_315 = tpu.memref_slice %arg6[%dma_wait3A_312, %dma_wait3A_313, %dma_wait3A_314] : memref<7x128x128xf32, #tpu.memory_space<vmem>> -> memref<1x128x128xf32, #tpu.memory_space<vmem>>
        %dma_wait3A_316 = tpu.memref_squeeze %dma_wait3A_315 : memref<1x128x128xf32, #tpu.memory_space<vmem>> -> memref<128x128xf32, #tpu.memory_space<vmem>>
        %dma_wait3A_317 = arith.constant 0 : i32
        %dma_wait3A_318 = arith.constant 0 : i32
        %dma_wait3A_319 = tpu.memref_slice %arg3[%dma_wait3A_317, %dma_wait3A_318] : memref<100000x128xf32, #tpu.memory_space<hbm>> -> memref<128x128xf32, #tpu.memory_space<hbm>>
        %dma_wait3A_320 = arith.constant 0 : i32
        %dma_wait3A_321 = arith.constant 0 : i32
        %dma_wait3A_322 = tpu.memref_slice %arg6[%dma_wait3A_312, %dma_wait3A_320, %dma_wait3A_321] : memref<7x128x128xf32, #tpu.memory_space<vmem>> -> memref<1x128x128xf32, #tpu.memory_space<vmem>>
        %dma_wait3A_323 = tpu.memref_squeeze %dma_wait3A_322 : memref<1x128x128xf32, #tpu.memory_space<vmem>> -> memref<128x128xf32, #tpu.memory_space<vmem>>
        %dma_wait3A_324 = arith.constant 0 : i32
        %dma_wait3A_325 = arith.constant 0 : i32
        %dma_wait3A_326 = tpu.memref_slice %arg3[%dma_wait3A_324, %dma_wait3A_325] : memref<100000x128xf32, #tpu.memory_space<hbm>> -> memref<128x128xf32, #tpu.memory_space<hbm>>
        tpu.wait_dma2 semaphore(%arg8 : memref<!tpu.dma_semaphore, #tpu.memory_space<semaphore_mem>>) src(%dma_wait3A_326 : memref<128x128xf32, #tpu.memory_space<hbm>>) dst(%dma_wait3A_323 : memref<128x128xf32, #tpu.memory_space<vmem>>)
        %mul3A_327 = arith.constant 128 : i32
        %mul3A_328 = arith.muli %add3A_199, %mul3A_327 : i32
        %add3A_329 = arith.addi %mul3A_2, %mul3A_328 : i32
        %dma_start3A_330 = arith.constant 1 : i32
        %dma_start3A_331 = arith.constant 0 : i32
        %dma_start3A_332 = arith.constant 0 : i32
        %dma_start3A_333 = tpu.memref_slice %arg6[%dma_start3A_330, %dma_start3A_331, %dma_start3A_332] : memref<7x128x128xf32, #tpu.memory_space<vmem>> -> memref<1x64x128xf32, #tpu.memory_space<vmem>>
        %dma_start3A_334 = tpu.memref_squeeze %dma_start3A_333 : memref<1x64x128xf32, #tpu.memory_space<vmem>> -> memref<64x128xf32, #tpu.memory_space<vmem>>
        %dma_start3A_335 = arith.constant 0 : i32
        %dma_start3A_336 = tpu.memref_slice %arg4[%add3A_329, %dma_start3A_335] : memref<204800x128xf32, #tpu.memory_space<hbm>> -> memref<64x128xf32, #tpu.memory_space<hbm>>
        %dma_start3A_337 = arith.constant 0 : i32
        %dma_start3A_338 = tpu.memref_slice %arg4[%add3A_329, %dma_start3A_337] : memref<204800x128xf32, #tpu.memory_space<hbm>> -> memref<64x128xf32, #tpu.memory_space<hbm>>
        %dma_start3A_339 = arith.constant 0 : i32
        %dma_start3A_340 = arith.constant 0 : i32
        %dma_start3A_341 = tpu.memref_slice %arg6[%dma_start3A_330, %dma_start3A_339, %dma_start3A_340] : memref<7x128x128xf32, #tpu.memory_space<vmem>> -> memref<1x64x128xf32, #tpu.memory_space<vmem>>
        %dma_start3A_342 = tpu.memref_squeeze %dma_start3A_341 : memref<1x64x128xf32, #tpu.memory_space<vmem>> -> memref<64x128xf32, #tpu.memory_space<vmem>>
        tpu.enqueue_dma source(%dma_start3A_342 : memref<64x128xf32, #tpu.memory_space<vmem>>) target(%dma_start3A_338 : memref<64x128xf32, #tpu.memory_space<hbm>>) target_semaphore(%arg15 : memref<!tpu.dma_semaphore, #tpu.memory_space<semaphore_mem>>)
        %mul3A_343 = arith.constant 128 : i32
        %mul3A_344 = arith.muli %add3A_199, %mul3A_343 : i32
        %add3A_345 = arith.addi %mul3A_2, %mul3A_344 : i32
        %add3A_346 = arith.constant 64 : i32
        %add3A_347 = arith.addi %add3A_345, %add3A_346 : i32
        %dma_start3A_348 = arith.constant 1 : i32
        %dma_start3A_349 = arith.constant 64 : i32
        %dma_start3A_350 = arith.constant 0 : i32
        %dma_start3A_351 = tpu.memref_slice %arg6[%dma_start3A_348, %dma_start3A_349, %dma_start3A_350] : memref<7x128x128xf32, #tpu.memory_space<vmem>> -> memref<1x64x128xf32, #tpu.memory_space<vmem>>
        %dma_start3A_352 = tpu.memref_squeeze %dma_start3A_351 : memref<1x64x128xf32, #tpu.memory_space<vmem>> -> memref<64x128xf32, #tpu.memory_space<vmem>>
        %dma_start3A_353 = arith.constant 0 : i32
        %dma_start3A_354 = tpu.memref_slice %arg4[%add3A_347, %dma_start3A_353] : memref<204800x128xf32, #tpu.memory_space<hbm>> -> memref<64x128xf32, #tpu.memory_space<hbm>>
        %dma_start3A_355 = arith.constant 0 : i32
        %dma_start3A_356 = tpu.memref_slice %arg4[%add3A_347, %dma_start3A_355] : memref<204800x128xf32, #tpu.memory_space<hbm>> -> memref<64x128xf32, #tpu.memory_space<hbm>>
        %dma_start3A_357 = arith.constant 64 : i32
        %dma_start3A_358 = arith.constant 0 : i32
        %dma_start3A_359 = tpu.memref_slice %arg6[%dma_start3A_348, %dma_start3A_357, %dma_start3A_358] : memref<7x128x128xf32, #tpu.memory_space<vmem>> -> memref<1x64x128xf32, #tpu.memory_space<vmem>>
        %dma_start3A_360 = tpu.memref_squeeze %dma_start3A_359 : memref<1x64x128xf32, #tpu.memory_space<vmem>> -> memref<64x128xf32, #tpu.memory_space<vmem>>
        tpu.enqueue_dma source(%dma_start3A_360 : memref<64x128xf32, #tpu.memory_space<vmem>>) target(%dma_start3A_356 : memref<64x128xf32, #tpu.memory_space<hbm>>) target_semaphore(%arg15 : memref<!tpu.dma_semaphore, #tpu.memory_space<semaphore_mem>>)
      } else {
      }
      %add3A_205 = arith.constant 7 : i32
      %add3A_206 = arith.addi %add3A_199, %add3A_205 : i32
      %sub3A_207 = arith.constant 1 : i32
      %sub3A_208 = arith.subi %add3A_206, %sub3A_207 : i32
      %ge3A_209 = arith.constant 7 : i32
      %ge3A_210 = arith.cmpi sge, %sub3A_208, %ge3A_209 : i32
      %lt3A_211 = arith.constant 50 : i32
      %lt3A_212 = arith.cmpi slt, %sub3A_208, %lt3A_211 : i32
      %and3A_213 = arith.andi %ge3A_210, %lt3A_212 : i1
      %convert_element_type3A_214 = arith.extui %and3A_213 : i1 to i32
      %cond3A_215 = arith.constant 0 : i32
      %cond3A_216 = arith.cmpi ne, %convert_element_type3A_214, %cond3A_215 : i32
      scf.if %cond3A_216 {
        %dma_wait3A_312 = arith.constant 0 : i32
        %dma_wait3A_313 = arith.constant 0 : i32
        %dma_wait3A_314 = arith.constant 0 : i32
        %dma_wait3A_315 = tpu.memref_slice %arg6[%dma_wait3A_312, %dma_wait3A_313, %dma_wait3A_314] : memref<7x128x128xf32, #tpu.memory_space<vmem>> -> memref<1x128x128xf32, #tpu.memory_space<vmem>>
        %dma_wait3A_316 = tpu.memref_squeeze %dma_wait3A_315 : memref<1x128x128xf32, #tpu.memory_space<vmem>> -> memref<128x128xf32, #tpu.memory_space<vmem>>
        %dma_wait3A_317 = arith.constant 0 : i32
        %dma_wait3A_318 = arith.constant 0 : i32
        %dma_wait3A_319 = tpu.memref_slice %arg4[%dma_wait3A_317, %dma_wait3A_318] : memref<204800x128xf32, #tpu.memory_space<hbm>> -> memref<128x128xf32, #tpu.memory_space<hbm>>
        %dma_wait3A_320 = arith.constant 0 : i32
        %dma_wait3A_321 = arith.constant 0 : i32
        %dma_wait3A_322 = tpu.memref_slice %arg4[%dma_wait3A_320, %dma_wait3A_321] : memref<204800x128xf32, #tpu.memory_space<hbm>> -> memref<128x128xf32, #tpu.memory_space<hbm>>
        %dma_wait3A_323 = arith.constant 0 : i32
        %dma_wait3A_324 = arith.constant 0 : i32
        %dma_wait3A_325 = tpu.memref_slice %arg6[%dma_wait3A_312, %dma_wait3A_323, %dma_wait3A_324] : memref<7x128x128xf32, #tpu.memory_space<vmem>> -> memref<1x128x128xf32, #tpu.memory_space<vmem>>
        %dma_wait3A_326 = tpu.memref_squeeze %dma_wait3A_325 : memref<1x128x128xf32, #tpu.memory_space<vmem>> -> memref<128x128xf32, #tpu.memory_space<vmem>>
        tpu.wait_dma2 semaphore(%arg14 : memref<!tpu.dma_semaphore, #tpu.memory_space<semaphore_mem>>) src(%dma_wait3A_326 : memref<128x128xf32, #tpu.memory_space<vmem>>) dst(%dma_wait3A_322 : memref<128x128xf32, #tpu.memory_space<hbm>>)
        %mul3A_327 = arith.constant 128 : i32
        %mul3A_328 = arith.muli %sub3A_208, %mul3A_327 : i32
        %dma_start3A_329 = arith.constant 0 : i32
        %dma_start3A_330 = arith.constant 0 : i32
        %dma_start3A_331 = arith.constant 0 : i32
        %dma_start3A_332 = tpu.memref_slice %arg6[%dma_start3A_329, %dma_start3A_330, %dma_start3A_331] : memref<7x128x128xf32, #tpu.memory_space<vmem>> -> memref<1x128x128xf32, #tpu.memory_space<vmem>>
        %dma_start3A_333 = tpu.memref_squeeze %dma_start3A_332 : memref<1x128x128xf32, #tpu.memory_space<vmem>> -> memref<128x128xf32, #tpu.memory_space<vmem>>
        %dma_start3A_334 = tpu.memref_slice %arg5[%mul3A_328] : memref<6400xi32, #tpu.memory_space<vmem>> -> memref<128xi32, #tpu.memory_space<vmem>>
        %dma_start3A_335 = arith.constant 0 : i32
        %dma_start3A_336 = arith.constant 0 : i32
        %dma_start3A_337 = tpu.memref_slice %arg3[%dma_start3A_335, %dma_start3A_336] : memref<100000x128xf32, #tpu.memory_space<hbm>> -> memref<100000x128xf32, #tpu.memory_space<hbm>>
        tpu.enqueue_indirect_dma source(%dma_start3A_337 : memref<100000x128xf32, #tpu.memory_space<hbm>>) target(%dma_start3A_333 : memref<128x128xf32, #tpu.memory_space<vmem>>) offsets(%dma_start3A_334 : memref<128xi32, #tpu.memory_space<vmem>>) semaphore(%arg7 : memref<!tpu.dma_semaphore, #tpu.memory_space<semaphore_mem>>)
      } else {
      }
      %add3A_217 = arith.constant 2 : i32
      %add3A_218 = arith.addi %add3A_184, %add3A_217 : i32
      %lt3A_219 = arith.constant 50 : i32
      %lt3A_220 = arith.cmpi slt, %add3A_218, %lt3A_219 : i32
      %convert_element_type3A_221 = arith.extui %lt3A_220 : i1 to i32
      %cond3A_222 = arith.constant 0 : i32
      %cond3A_223 = arith.cmpi ne, %convert_element_type3A_221, %cond3A_222 : i32
      scf.if %cond3A_223 {
        %dma_wait3A_312 = arith.constant 2 : i32
        %dma_wait3A_313 = arith.constant 0 : i32
        %dma_wait3A_314 = arith.constant 0 : i32
        %dma_wait3A_315 = tpu.memref_slice %arg6[%dma_wait3A_312, %dma_wait3A_313, %dma_wait3A_314] : memref<7x128x128xf32, #tpu.memory_space<vmem>> -> memref<1x128x128xf32, #tpu.memory_space<vmem>>
        %dma_wait3A_316 = tpu.memref_squeeze %dma_wait3A_315 : memref<1x128x128xf32, #tpu.memory_space<vmem>> -> memref<128x128xf32, #tpu.memory_space<vmem>>
        %dma_wait3A_317 = arith.constant 0 : i32
        %dma_wait3A_318 = arith.constant 0 : i32
        %dma_wait3A_319 = tpu.memref_slice %arg3[%dma_wait3A_317, %dma_wait3A_318] : memref<100000x128xf32, #tpu.memory_space<hbm>> -> memref<128x128xf32, #tpu.memory_space<hbm>>
        %dma_wait3A_320 = arith.constant 0 : i32
        %dma_wait3A_321 = arith.constant 0 : i32
        %dma_wait3A_322 = tpu.memref_slice %arg6[%dma_wait3A_312, %dma_wait3A_320, %dma_wait3A_321] : memref<7x128x128xf32, #tpu.memory_space<vmem>> -> memref<1x128x128xf32, #tpu.memory_space<vmem>>
        %dma_wait3A_323 = tpu.memref_squeeze %dma_wait3A_322 : memref<1x128x128xf32, #tpu.memory_space<vmem>> -> memref<128x128xf32, #tpu.memory_space<vmem>>
        %dma_wait3A_324 = arith.constant 0 : i32
        %dma_wait3A_325 = arith.constant 0 : i32
        %dma_wait3A_326 = tpu.memref_slice %arg3[%dma_wait3A_324, %dma_wait3A_325] : memref<100000x128xf32, #tpu.memory_space<hbm>> -> memref<128x128xf32, #tpu.memory_space<hbm>>
        tpu.wait_dma2 semaphore(%arg9 : memref<!tpu.dma_semaphore, #tpu.memory_space<semaphore_mem>>) src(%dma_wait3A_326 : memref<128x128xf32, #tpu.memory_space<hbm>>) dst(%dma_wait3A_323 : memref<128x128xf32, #tpu.memory_space<vmem>>)
        %mul3A_327 = arith.constant 128 : i32
        %mul3A_328 = arith.muli %add3A_218, %mul3A_327 : i32
        %add3A_329 = arith.addi %mul3A_2, %mul3A_328 : i32
        %dma_start3A_330 = arith.constant 2 : i32
        %dma_start3A_331 = arith.constant 0 : i32
        %dma_start3A_332 = arith.constant 0 : i32
        %dma_start3A_333 = tpu.memref_slice %arg6[%dma_start3A_330, %dma_start3A_331, %dma_start3A_332] : memref<7x128x128xf32, #tpu.memory_space<vmem>> -> memref<1x64x128xf32, #tpu.memory_space<vmem>>
        %dma_start3A_334 = tpu.memref_squeeze %dma_start3A_333 : memref<1x64x128xf32, #tpu.memory_space<vmem>> -> memref<64x128xf32, #tpu.memory_space<vmem>>
        %dma_start3A_335 = arith.constant 0 : i32
        %dma_start3A_336 = tpu.memref_slice %arg4[%add3A_329, %dma_start3A_335] : memref<204800x128xf32, #tpu.memory_space<hbm>> -> memref<64x128xf32, #tpu.memory_space<hbm>>
        %dma_start3A_337 = arith.constant 0 : i32
        %dma_start3A_338 = tpu.memref_slice %arg4[%add3A_329, %dma_start3A_337] : memref<204800x128xf32, #tpu.memory_space<hbm>> -> memref<64x128xf32, #tpu.memory_space<hbm>>
        %dma_start3A_339 = arith.constant 0 : i32
        %dma_start3A_340 = arith.constant 0 : i32
        %dma_start3A_341 = tpu.memref_slice %arg6[%dma_start3A_330, %dma_start3A_339, %dma_start3A_340] : memref<7x128x128xf32, #tpu.memory_space<vmem>> -> memref<1x64x128xf32, #tpu.memory_space<vmem>>
        %dma_start3A_342 = tpu.memref_squeeze %dma_start3A_341 : memref<1x64x128xf32, #tpu.memory_space<vmem>> -> memref<64x128xf32, #tpu.memory_space<vmem>>
        tpu.enqueue_dma source(%dma_start3A_342 : memref<64x128xf32, #tpu.memory_space<vmem>>) target(%dma_start3A_338 : memref<64x128xf32, #tpu.memory_space<hbm>>) target_semaphore(%arg16 : memref<!tpu.dma_semaphore, #tpu.memory_space<semaphore_mem>>)
        %mul3A_343 = arith.constant 128 : i32
        %mul3A_344 = arith.muli %add3A_218, %mul3A_343 : i32
        %add3A_345 = arith.addi %mul3A_2, %mul3A_344 : i32
        %add3A_346 = arith.constant 64 : i32
        %add3A_347 = arith.addi %add3A_345, %add3A_346 : i32
        %dma_start3A_348 = arith.constant 2 : i32
        %dma_start3A_349 = arith.constant 64 : i32
        %dma_start3A_350 = arith.constant 0 : i32
        %dma_start3A_351 = tpu.memref_slice %arg6[%dma_start3A_348, %dma_start3A_349, %dma_start3A_350] : memref<7x128x128xf32, #tpu.memory_space<vmem>> -> memref<1x64x128xf32, #tpu.memory_space<vmem>>
        %dma_start3A_352 = tpu.memref_squeeze %dma_start3A_351 : memref<1x64x128xf32, #tpu.memory_space<vmem>> -> memref<64x128xf32, #tpu.memory_space<vmem>>
        %dma_start3A_353 = arith.constant 0 : i32
        %dma_start3A_354 = tpu.memref_slice %arg4[%add3A_347, %dma_start3A_353] : memref<204800x128xf32, #tpu.memory_space<hbm>> -> memref<64x128xf32, #tpu.memory_space<hbm>>
        %dma_start3A_355 = arith.constant 0 : i32
        %dma_start3A_356 = tpu.memref_slice %arg4[%add3A_347, %dma_start3A_355] : memref<204800x128xf32, #tpu.memory_space<hbm>> -> memref<64x128xf32, #tpu.memory_space<hbm>>
        %dma_start3A_357 = arith.constant 64 : i32
        %dma_start3A_358 = arith.constant 0 : i32
        %dma_start3A_359 = tpu.memref_slice %arg6[%dma_start3A_348, %dma_start3A_357, %dma_start3A_358] : memref<7x128x128xf32, #tpu.memory_space<vmem>> -> memref<1x64x128xf32, #tpu.memory_space<vmem>>
        %dma_start3A_360 = tpu.memref_squeeze %dma_start3A_359 : memref<1x64x128xf32, #tpu.memory_space<vmem>> -> memref<64x128xf32, #tpu.memory_space<vmem>>
        tpu.enqueue_dma source(%dma_start3A_360 : memref<64x128xf32, #tpu.memory_space<vmem>>) target(%dma_start3A_356 : memref<64x128xf32, #tpu.memory_space<hbm>>) target_semaphore(%arg16 : memref<!tpu.dma_semaphore, #tpu.memory_space<semaphore_mem>>)
      } else {
      }
      %add3A_224 = arith.constant 7 : i32
      %add3A_225 = arith.addi %add3A_218, %add3A_224 : i32
      %sub3A_226 = arith.constant 1 : i32
      %sub3A_227 = arith.subi %add3A_225, %sub3A_226 : i32
      %ge3A_228 = arith.constant 7 : i32
      %ge3A_229 = arith.cmpi sge, %sub3A_227, %ge3A_228 : i32
      %lt3A_230 = arith.constant 50 : i32
      %lt3A_231 = arith.cmpi slt, %sub3A_227, %lt3A_230 : i32
      %and3A_232 = arith.andi %ge3A_229, %lt3A_231 : i1
      %convert_element_type3A_233 = arith.extui %and3A_232 : i1 to i32
      %cond3A_234 = arith.constant 0 : i32
      %cond3A_235 = arith.cmpi ne, %convert_element_type3A_233, %cond3A_234 : i32
      scf.if %cond3A_235 {
        %dma_wait3A_312 = arith.constant 1 : i32
        %dma_wait3A_313 = arith.constant 0 : i32
        %dma_wait3A_314 = arith.constant 0 : i32
        %dma_wait3A_315 = tpu.memref_slice %arg6[%dma_wait3A_312, %dma_wait3A_313, %dma_wait3A_314] : memref<7x128x128xf32, #tpu.memory_space<vmem>> -> memref<1x128x128xf32, #tpu.memory_space<vmem>>
        %dma_wait3A_316 = tpu.memref_squeeze %dma_wait3A_315 : memref<1x128x128xf32, #tpu.memory_space<vmem>> -> memref<128x128xf32, #tpu.memory_space<vmem>>
        %dma_wait3A_317 = arith.constant 0 : i32
        %dma_wait3A_318 = arith.constant 0 : i32
        %dma_wait3A_319 = tpu.memref_slice %arg4[%dma_wait3A_317, %dma_wait3A_318] : memref<204800x128xf32, #tpu.memory_space<hbm>> -> memref<128x128xf32, #tpu.memory_space<hbm>>
        %dma_wait3A_320 = arith.constant 0 : i32
        %dma_wait3A_321 = arith.constant 0 : i32
        %dma_wait3A_322 = tpu.memref_slice %arg4[%dma_wait3A_320, %dma_wait3A_321] : memref<204800x128xf32, #tpu.memory_space<hbm>> -> memref<128x128xf32, #tpu.memory_space<hbm>>
        %dma_wait3A_323 = arith.constant 0 : i32
        %dma_wait3A_324 = arith.constant 0 : i32
        %dma_wait3A_325 = tpu.memref_slice %arg6[%dma_wait3A_312, %dma_wait3A_323, %dma_wait3A_324] : memref<7x128x128xf32, #tpu.memory_space<vmem>> -> memref<1x128x128xf32, #tpu.memory_space<vmem>>
        %dma_wait3A_326 = tpu.memref_squeeze %dma_wait3A_325 : memref<1x128x128xf32, #tpu.memory_space<vmem>> -> memref<128x128xf32, #tpu.memory_space<vmem>>
        tpu.wait_dma2 semaphore(%arg15 : memref<!tpu.dma_semaphore, #tpu.memory_space<semaphore_mem>>) src(%dma_wait3A_326 : memref<128x128xf32, #tpu.memory_space<vmem>>) dst(%dma_wait3A_322 : memref<128x128xf32, #tpu.memory_space<hbm>>)
        %mul3A_327 = arith.constant 128 : i32
        %mul3A_328 = arith.muli %sub3A_227, %mul3A_327 : i32
        %dma_start3A_329 = arith.constant 1 : i32
        %dma_start3A_330 = arith.constant 0 : i32
        %dma_start3A_331 = arith.constant 0 : i32
        %dma_start3A_332 = tpu.memref_slice %arg6[%dma_start3A_329, %dma_start3A_330, %dma_start3A_331] : memref<7x128x128xf32, #tpu.memory_space<vmem>> -> memref<1x128x128xf32, #tpu.memory_space<vmem>>
        %dma_start3A_333 = tpu.memref_squeeze %dma_start3A_332 : memref<1x128x128xf32, #tpu.memory_space<vmem>> -> memref<128x128xf32, #tpu.memory_space<vmem>>
        %dma_start3A_334 = tpu.memref_slice %arg5[%mul3A_328] : memref<6400xi32, #tpu.memory_space<vmem>> -> memref<128xi32, #tpu.memory_space<vmem>>
        %dma_start3A_335 = arith.constant 0 : i32
        %dma_start3A_336 = arith.constant 0 : i32
        %dma_start3A_337 = tpu.memref_slice %arg3[%dma_start3A_335, %dma_start3A_336] : memref<100000x128xf32, #tpu.memory_space<hbm>> -> memref<100000x128xf32, #tpu.memory_space<hbm>>
        tpu.enqueue_indirect_dma source(%dma_start3A_337 : memref<100000x128xf32, #tpu.memory_space<hbm>>) target(%dma_start3A_333 : memref<128x128xf32, #tpu.memory_space<vmem>>) offsets(%dma_start3A_334 : memref<128xi32, #tpu.memory_space<vmem>>) semaphore(%arg8 : memref<!tpu.dma_semaphore, #tpu.memory_space<semaphore_mem>>)
      } else {
      }
      %add3A_236 = arith.constant 3 : i32
      %add3A_237 = arith.addi %add3A_184, %add3A_236 : i32
      %lt3A_238 = arith.constant 50 : i32
      %lt3A_239 = arith.cmpi slt, %add3A_237, %lt3A_238 : i32
      %convert_element_type3A_240 = arith.extui %lt3A_239 : i1 to i32
      %cond3A_241 = arith.constant 0 : i32
      %cond3A_242 = arith.cmpi ne, %convert_element_type3A_240, %cond3A_241 : i32
      scf.if %cond3A_242 {
        %dma_wait3A_312 = arith.constant 3 : i32
        %dma_wait3A_313 = arith.constant 0 : i32
        %dma_wait3A_314 = arith.constant 0 : i32
        %dma_wait3A_315 = tpu.memref_slice %arg6[%dma_wait3A_312, %dma_wait3A_313, %dma_wait3A_314] : memref<7x128x128xf32, #tpu.memory_space<vmem>> -> memref<1x128x128xf32, #tpu.memory_space<vmem>>
        %dma_wait3A_316 = tpu.memref_squeeze %dma_wait3A_315 : memref<1x128x128xf32, #tpu.memory_space<vmem>> -> memref<128x128xf32, #tpu.memory_space<vmem>>
        %dma_wait3A_317 = arith.constant 0 : i32
        %dma_wait3A_318 = arith.constant 0 : i32
        %dma_wait3A_319 = tpu.memref_slice %arg3[%dma_wait3A_317, %dma_wait3A_318] : memref<100000x128xf32, #tpu.memory_space<hbm>> -> memref<128x128xf32, #tpu.memory_space<hbm>>
        %dma_wait3A_320 = arith.constant 0 : i32
        %dma_wait3A_321 = arith.constant 0 : i32
        %dma_wait3A_322 = tpu.memref_slice %arg6[%dma_wait3A_312, %dma_wait3A_320, %dma_wait3A_321] : memref<7x128x128xf32, #tpu.memory_space<vmem>> -> memref<1x128x128xf32, #tpu.memory_space<vmem>>
        %dma_wait3A_323 = tpu.memref_squeeze %dma_wait3A_322 : memref<1x128x128xf32, #tpu.memory_space<vmem>> -> memref<128x128xf32, #tpu.memory_space<vmem>>
        %dma_wait3A_324 = arith.constant 0 : i32
        %dma_wait3A_325 = arith.constant 0 : i32
        %dma_wait3A_326 = tpu.memref_slice %arg3[%dma_wait3A_324, %dma_wait3A_325] : memref<100000x128xf32, #tpu.memory_space<hbm>> -> memref<128x128xf32, #tpu.memory_space<hbm>>
        tpu.wait_dma2 semaphore(%arg10 : memref<!tpu.dma_semaphore, #tpu.memory_space<semaphore_mem>>) src(%dma_wait3A_326 : memref<128x128xf32, #tpu.memory_space<hbm>>) dst(%dma_wait3A_323 : memref<128x128xf32, #tpu.memory_space<vmem>>)
        %mul3A_327 = arith.constant 128 : i32
        %mul3A_328 = arith.muli %add3A_237, %mul3A_327 : i32
        %add3A_329 = arith.addi %mul3A_2, %mul3A_328 : i32
        %dma_start3A_330 = arith.constant 3 : i32
        %dma_start3A_331 = arith.constant 0 : i32
        %dma_start3A_332 = arith.constant 0 : i32
        %dma_start3A_333 = tpu.memref_slice %arg6[%dma_start3A_330, %dma_start3A_331, %dma_start3A_332] : memref<7x128x128xf32, #tpu.memory_space<vmem>> -> memref<1x64x128xf32, #tpu.memory_space<vmem>>
        %dma_start3A_334 = tpu.memref_squeeze %dma_start3A_333 : memref<1x64x128xf32, #tpu.memory_space<vmem>> -> memref<64x128xf32, #tpu.memory_space<vmem>>
        %dma_start3A_335 = arith.constant 0 : i32
        %dma_start3A_336 = tpu.memref_slice %arg4[%add3A_329, %dma_start3A_335] : memref<204800x128xf32, #tpu.memory_space<hbm>> -> memref<64x128xf32, #tpu.memory_space<hbm>>
        %dma_start3A_337 = arith.constant 0 : i32
        %dma_start3A_338 = tpu.memref_slice %arg4[%add3A_329, %dma_start3A_337] : memref<204800x128xf32, #tpu.memory_space<hbm>> -> memref<64x128xf32, #tpu.memory_space<hbm>>
        %dma_start3A_339 = arith.constant 0 : i32
        %dma_start3A_340 = arith.constant 0 : i32
        %dma_start3A_341 = tpu.memref_slice %arg6[%dma_start3A_330, %dma_start3A_339, %dma_start3A_340] : memref<7x128x128xf32, #tpu.memory_space<vmem>> -> memref<1x64x128xf32, #tpu.memory_space<vmem>>
        %dma_start3A_342 = tpu.memref_squeeze %dma_start3A_341 : memref<1x64x128xf32, #tpu.memory_space<vmem>> -> memref<64x128xf32, #tpu.memory_space<vmem>>
        tpu.enqueue_dma source(%dma_start3A_342 : memref<64x128xf32, #tpu.memory_space<vmem>>) target(%dma_start3A_338 : memref<64x128xf32, #tpu.memory_space<hbm>>) target_semaphore(%arg17 : memref<!tpu.dma_semaphore, #tpu.memory_space<semaphore_mem>>)
        %mul3A_343 = arith.constant 128 : i32
        %mul3A_344 = arith.muli %add3A_237, %mul3A_343 : i32
        %add3A_345 = arith.addi %mul3A_2, %mul3A_344 : i32
        %add3A_346 = arith.constant 64 : i32
        %add3A_347 = arith.addi %add3A_345, %add3A_346 : i32
        %dma_start3A_348 = arith.constant 3 : i32
        %dma_start3A_349 = arith.constant 64 : i32
        %dma_start3A_350 = arith.constant 0 : i32
        %dma_start3A_351 = tpu.memref_slice %arg6[%dma_start3A_348, %dma_start3A_349, %dma_start3A_350] : memref<7x128x128xf32, #tpu.memory_space<vmem>> -> memref<1x64x128xf32, #tpu.memory_space<vmem>>
        %dma_start3A_352 = tpu.memref_squeeze %dma_start3A_351 : memref<1x64x128xf32, #tpu.memory_space<vmem>> -> memref<64x128xf32, #tpu.memory_space<vmem>>
        %dma_start3A_353 = arith.constant 0 : i32
        %dma_start3A_354 = tpu.memref_slice %arg4[%add3A_347, %dma_start3A_353] : memref<204800x128xf32, #tpu.memory_space<hbm>> -> memref<64x128xf32, #tpu.memory_space<hbm>>
        %dma_start3A_355 = arith.constant 0 : i32
        %dma_start3A_356 = tpu.memref_slice %arg4[%add3A_347, %dma_start3A_355] : memref<204800x128xf32, #tpu.memory_space<hbm>> -> memref<64x128xf32, #tpu.memory_space<hbm>>
        %dma_start3A_357 = arith.constant 64 : i32
        %dma_start3A_358 = arith.constant 0 : i32
        %dma_start3A_359 = tpu.memref_slice %arg6[%dma_start3A_348, %dma_start3A_357, %dma_start3A_358] : memref<7x128x128xf32, #tpu.memory_space<vmem>> -> memref<1x64x128xf32, #tpu.memory_space<vmem>>
        %dma_start3A_360 = tpu.memref_squeeze %dma_start3A_359 : memref<1x64x128xf32, #tpu.memory_space<vmem>> -> memref<64x128xf32, #tpu.memory_space<vmem>>
        tpu.enqueue_dma source(%dma_start3A_360 : memref<64x128xf32, #tpu.memory_space<vmem>>) target(%dma_start3A_356 : memref<64x128xf32, #tpu.memory_space<hbm>>) target_semaphore(%arg17 : memref<!tpu.dma_semaphore, #tpu.memory_space<semaphore_mem>>)
      } else {
      }
      %add3A_243 = arith.constant 7 : i32
      %add3A_244 = arith.addi %add3A_237, %add3A_243 : i32
      %sub3A_245 = arith.constant 1 : i32
      %sub3A_246 = arith.subi %add3A_244, %sub3A_245 : i32
      %ge3A_247 = arith.constant 7 : i32
      %ge3A_248 = arith.cmpi sge, %sub3A_246, %ge3A_247 : i32
      %lt3A_249 = arith.constant 50 : i32
      %lt3A_250 = arith.cmpi slt, %sub3A_246, %lt3A_249 : i32
      %and3A_251 = arith.andi %ge3A_248, %lt3A_250 : i1
      %convert_element_type3A_252 = arith.extui %and3A_251 : i1 to i32
      %cond3A_253 = arith.constant 0 : i32
      %cond3A_254 = arith.cmpi ne, %convert_element_type3A_252, %cond3A_253 : i32
      scf.if %cond3A_254 {
        %dma_wait3A_312 = arith.constant 2 : i32
        %dma_wait3A_313 = arith.constant 0 : i32
        %dma_wait3A_314 = arith.constant 0 : i32
        %dma_wait3A_315 = tpu.memref_slice %arg6[%dma_wait3A_312, %dma_wait3A_313, %dma_wait3A_314] : memref<7x128x128xf32, #tpu.memory_space<vmem>> -> memref<1x128x128xf32, #tpu.memory_space<vmem>>
        %dma_wait3A_316 = tpu.memref_squeeze %dma_wait3A_315 : memref<1x128x128xf32, #tpu.memory_space<vmem>> -> memref<128x128xf32, #tpu.memory_space<vmem>>
        %dma_wait3A_317 = arith.constant 0 : i32
        %dma_wait3A_318 = arith.constant 0 : i32
        %dma_wait3A_319 = tpu.memref_slice %arg4[%dma_wait3A_317, %dma_wait3A_318] : memref<204800x128xf32, #tpu.memory_space<hbm>> -> memref<128x128xf32, #tpu.memory_space<hbm>>
        %dma_wait3A_320 = arith.constant 0 : i32
        %dma_wait3A_321 = arith.constant 0 : i32
        %dma_wait3A_322 = tpu.memref_slice %arg4[%dma_wait3A_320, %dma_wait3A_321] : memref<204800x128xf32, #tpu.memory_space<hbm>> -> memref<128x128xf32, #tpu.memory_space<hbm>>
        %dma_wait3A_323 = arith.constant 0 : i32
        %dma_wait3A_324 = arith.constant 0 : i32
        %dma_wait3A_325 = tpu.memref_slice %arg6[%dma_wait3A_312, %dma_wait3A_323, %dma_wait3A_324] : memref<7x128x128xf32, #tpu.memory_space<vmem>> -> memref<1x128x128xf32, #tpu.memory_space<vmem>>
        %dma_wait3A_326 = tpu.memref_squeeze %dma_wait3A_325 : memref<1x128x128xf32, #tpu.memory_space<vmem>> -> memref<128x128xf32, #tpu.memory_space<vmem>>
        tpu.wait_dma2 semaphore(%arg16 : memref<!tpu.dma_semaphore, #tpu.memory_space<semaphore_mem>>) src(%dma_wait3A_326 : memref<128x128xf32, #tpu.memory_space<vmem>>) dst(%dma_wait3A_322 : memref<128x128xf32, #tpu.memory_space<hbm>>)
        %mul3A_327 = arith.constant 128 : i32
        %mul3A_328 = arith.muli %sub3A_246, %mul3A_327 : i32
        %dma_start3A_329 = arith.constant 2 : i32
        %dma_start3A_330 = arith.constant 0 : i32
        %dma_start3A_331 = arith.constant 0 : i32
        %dma_start3A_332 = tpu.memref_slice %arg6[%dma_start3A_329, %dma_start3A_330, %dma_start3A_331] : memref<7x128x128xf32, #tpu.memory_space<vmem>> -> memref<1x128x128xf32, #tpu.memory_space<vmem>>
        %dma_start3A_333 = tpu.memref_squeeze %dma_start3A_332 : memref<1x128x128xf32, #tpu.memory_space<vmem>> -> memref<128x128xf32, #tpu.memory_space<vmem>>
        %dma_start3A_334 = tpu.memref_slice %arg5[%mul3A_328] : memref<6400xi32, #tpu.memory_space<vmem>> -> memref<128xi32, #tpu.memory_space<vmem>>
        %dma_start3A_335 = arith.constant 0 : i32
        %dma_start3A_336 = arith.constant 0 : i32
        %dma_start3A_337 = tpu.memref_slice %arg3[%dma_start3A_335, %dma_start3A_336] : memref<100000x128xf32, #tpu.memory_space<hbm>> -> memref<100000x128xf32, #tpu.memory_space<hbm>>
        tpu.enqueue_indirect_dma source(%dma_start3A_337 : memref<100000x128xf32, #tpu.memory_space<hbm>>) target(%dma_start3A_333 : memref<128x128xf32, #tpu.memory_space<vmem>>) offsets(%dma_start3A_334 : memref<128xi32, #tpu.memory_space<vmem>>) semaphore(%arg9 : memref<!tpu.dma_semaphore, #tpu.memory_space<semaphore_mem>>)
      } else {
      }
      %add3A_255 = arith.constant 4 : i32
      %add3A_256 = arith.addi %add3A_184, %add3A_255 : i32
      %lt3A_257 = arith.constant 50 : i32
      %lt3A_258 = arith.cmpi slt, %add3A_256, %lt3A_257 : i32
      %convert_element_type3A_259 = arith.extui %lt3A_258 : i1 to i32
      %cond3A_260 = arith.constant 0 : i32
      %cond3A_261 = arith.cmpi ne, %convert_element_type3A_259, %cond3A_260 : i32
      scf.if %cond3A_261 {
        %dma_wait3A_312 = arith.constant 4 : i32
        %dma_wait3A_313 = arith.constant 0 : i32
        %dma_wait3A_314 = arith.constant 0 : i32
        %dma_wait3A_315 = tpu.memref_slice %arg6[%dma_wait3A_312, %dma_wait3A_313, %dma_wait3A_314] : memref<7x128x128xf32, #tpu.memory_space<vmem>> -> memref<1x128x128xf32, #tpu.memory_space<vmem>>
        %dma_wait3A_316 = tpu.memref_squeeze %dma_wait3A_315 : memref<1x128x128xf32, #tpu.memory_space<vmem>> -> memref<128x128xf32, #tpu.memory_space<vmem>>
        %dma_wait3A_317 = arith.constant 0 : i32
        %dma_wait3A_318 = arith.constant 0 : i32
        %dma_wait3A_319 = tpu.memref_slice %arg3[%dma_wait3A_317, %dma_wait3A_318] : memref<100000x128xf32, #tpu.memory_space<hbm>> -> memref<128x128xf32, #tpu.memory_space<hbm>>
        %dma_wait3A_320 = arith.constant 0 : i32
        %dma_wait3A_321 = arith.constant 0 : i32
        %dma_wait3A_322 = tpu.memref_slice %arg6[%dma_wait3A_312, %dma_wait3A_320, %dma_wait3A_321] : memref<7x128x128xf32, #tpu.memory_space<vmem>> -> memref<1x128x128xf32, #tpu.memory_space<vmem>>
        %dma_wait3A_323 = tpu.memref_squeeze %dma_wait3A_322 : memref<1x128x128xf32, #tpu.memory_space<vmem>> -> memref<128x128xf32, #tpu.memory_space<vmem>>
        %dma_wait3A_324 = arith.constant 0 : i32
        %dma_wait3A_325 = arith.constant 0 : i32
        %dma_wait3A_326 = tpu.memref_slice %arg3[%dma_wait3A_324, %dma_wait3A_325] : memref<100000x128xf32, #tpu.memory_space<hbm>> -> memref<128x128xf32, #tpu.memory_space<hbm>>
        tpu.wait_dma2 semaphore(%arg11 : memref<!tpu.dma_semaphore, #tpu.memory_space<semaphore_mem>>) src(%dma_wait3A_326 : memref<128x128xf32, #tpu.memory_space<hbm>>) dst(%dma_wait3A_323 : memref<128x128xf32, #tpu.memory_space<vmem>>)
        %mul3A_327 = arith.constant 128 : i32
        %mul3A_328 = arith.muli %add3A_256, %mul3A_327 : i32
        %add3A_329 = arith.addi %mul3A_2, %mul3A_328 : i32
        %dma_start3A_330 = arith.constant 4 : i32
        %dma_start3A_331 = arith.constant 0 : i32
        %dma_start3A_332 = arith.constant 0 : i32
        %dma_start3A_333 = tpu.memref_slice %arg6[%dma_start3A_330, %dma_start3A_331, %dma_start3A_332] : memref<7x128x128xf32, #tpu.memory_space<vmem>> -> memref<1x64x128xf32, #tpu.memory_space<vmem>>
        %dma_start3A_334 = tpu.memref_squeeze %dma_start3A_333 : memref<1x64x128xf32, #tpu.memory_space<vmem>> -> memref<64x128xf32, #tpu.memory_space<vmem>>
        %dma_start3A_335 = arith.constant 0 : i32
        %dma_start3A_336 = tpu.memref_slice %arg4[%add3A_329, %dma_start3A_335] : memref<204800x128xf32, #tpu.memory_space<hbm>> -> memref<64x128xf32, #tpu.memory_space<hbm>>
        %dma_start3A_337 = arith.constant 0 : i32
        %dma_start3A_338 = tpu.memref_slice %arg4[%add3A_329, %dma_start3A_337] : memref<204800x128xf32, #tpu.memory_space<hbm>> -> memref<64x128xf32, #tpu.memory_space<hbm>>
        %dma_start3A_339 = arith.constant 0 : i32
        %dma_start3A_340 = arith.constant 0 : i32
        %dma_start3A_341 = tpu.memref_slice %arg6[%dma_start3A_330, %dma_start3A_339, %dma_start3A_340] : memref<7x128x128xf32, #tpu.memory_space<vmem>> -> memref<1x64x128xf32, #tpu.memory_space<vmem>>
        %dma_start3A_342 = tpu.memref_squeeze %dma_start3A_341 : memref<1x64x128xf32, #tpu.memory_space<vmem>> -> memref<64x128xf32, #tpu.memory_space<vmem>>
        tpu.enqueue_dma source(%dma_start3A_342 : memref<64x128xf32, #tpu.memory_space<vmem>>) target(%dma_start3A_338 : memref<64x128xf32, #tpu.memory_space<hbm>>) target_semaphore(%arg18 : memref<!tpu.dma_semaphore, #tpu.memory_space<semaphore_mem>>)
        %mul3A_343 = arith.constant 128 : i32
        %mul3A_344 = arith.muli %add3A_256, %mul3A_343 : i32
        %add3A_345 = arith.addi %mul3A_2, %mul3A_344 : i32
        %add3A_346 = arith.constant 64 : i32
        %add3A_347 = arith.addi %add3A_345, %add3A_346 : i32
        %dma_start3A_348 = arith.constant 4 : i32
        %dma_start3A_349 = arith.constant 64 : i32
        %dma_start3A_350 = arith.constant 0 : i32
        %dma_start3A_351 = tpu.memref_slice %arg6[%dma_start3A_348, %dma_start3A_349, %dma_start3A_350] : memref<7x128x128xf32, #tpu.memory_space<vmem>> -> memref<1x64x128xf32, #tpu.memory_space<vmem>>
        %dma_start3A_352 = tpu.memref_squeeze %dma_start3A_351 : memref<1x64x128xf32, #tpu.memory_space<vmem>> -> memref<64x128xf32, #tpu.memory_space<vmem>>
        %dma_start3A_353 = arith.constant 0 : i32
        %dma_start3A_354 = tpu.memref_slice %arg4[%add3A_347, %dma_start3A_353] : memref<204800x128xf32, #tpu.memory_space<hbm>> -> memref<64x128xf32, #tpu.memory_space<hbm>>
        %dma_start3A_355 = arith.constant 0 : i32
        %dma_start3A_356 = tpu.memref_slice %arg4[%add3A_347, %dma_start3A_355] : memref<204800x128xf32, #tpu.memory_space<hbm>> -> memref<64x128xf32, #tpu.memory_space<hbm>>
        %dma_start3A_357 = arith.constant 64 : i32
        %dma_start3A_358 = arith.constant 0 : i32
        %dma_start3A_359 = tpu.memref_slice %arg6[%dma_start3A_348, %dma_start3A_357, %dma_start3A_358] : memref<7x128x128xf32, #tpu.memory_space<vmem>> -> memref<1x64x128xf32, #tpu.memory_space<vmem>>
        %dma_start3A_360 = tpu.memref_squeeze %dma_start3A_359 : memref<1x64x128xf32, #tpu.memory_space<vmem>> -> memref<64x128xf32, #tpu.memory_space<vmem>>
        tpu.enqueue_dma source(%dma_start3A_360 : memref<64x128xf32, #tpu.memory_space<vmem>>) target(%dma_start3A_356 : memref<64x128xf32, #tpu.memory_space<hbm>>) target_semaphore(%arg18 : memref<!tpu.dma_semaphore, #tpu.memory_space<semaphore_mem>>)
      } else {
      }
      %add3A_262 = arith.constant 7 : i32
      %add3A_263 = arith.addi %add3A_256, %add3A_262 : i32
      %sub3A_264 = arith.constant 1 : i32
      %sub3A_265 = arith.subi %add3A_263, %sub3A_264 : i32
      %ge3A_266 = arith.constant 7 : i32
      %ge3A_267 = arith.cmpi sge, %sub3A_265, %ge3A_266 : i32
      %lt3A_268 = arith.constant 50 : i32
      %lt3A_269 = arith.cmpi slt, %sub3A_265, %lt3A_268 : i32
      %and3A_270 = arith.andi %ge3A_267, %lt3A_269 : i1
      %convert_element_type3A_271 = arith.extui %and3A_270 : i1 to i32
      %cond3A_272 = arith.constant 0 : i32
      %cond3A_273 = arith.cmpi ne, %convert_element_type3A_271, %cond3A_272 : i32
      scf.if %cond3A_273 {
        %dma_wait3A_312 = arith.constant 3 : i32
        %dma_wait3A_313 = arith.constant 0 : i32
        %dma_wait3A_314 = arith.constant 0 : i32
        %dma_wait3A_315 = tpu.memref_slice %arg6[%dma_wait3A_312, %dma_wait3A_313, %dma_wait3A_314] : memref<7x128x128xf32, #tpu.memory_space<vmem>> -> memref<1x128x128xf32, #tpu.memory_space<vmem>>
        %dma_wait3A_316 = tpu.memref_squeeze %dma_wait3A_315 : memref<1x128x128xf32, #tpu.memory_space<vmem>> -> memref<128x128xf32, #tpu.memory_space<vmem>>
        %dma_wait3A_317 = arith.constant 0 : i32
        %dma_wait3A_318 = arith.constant 0 : i32
        %dma_wait3A_319 = tpu.memref_slice %arg4[%dma_wait3A_317, %dma_wait3A_318] : memref<204800x128xf32, #tpu.memory_space<hbm>> -> memref<128x128xf32, #tpu.memory_space<hbm>>
        %dma_wait3A_320 = arith.constant 0 : i32
        %dma_wait3A_321 = arith.constant 0 : i32
        %dma_wait3A_322 = tpu.memref_slice %arg4[%dma_wait3A_320, %dma_wait3A_321] : memref<204800x128xf32, #tpu.memory_space<hbm>> -> memref<128x128xf32, #tpu.memory_space<hbm>>
        %dma_wait3A_323 = arith.constant 0 : i32
        %dma_wait3A_324 = arith.constant 0 : i32
        %dma_wait3A_325 = tpu.memref_slice %arg6[%dma_wait3A_312, %dma_wait3A_323, %dma_wait3A_324] : memref<7x128x128xf32, #tpu.memory_space<vmem>> -> memref<1x128x128xf32, #tpu.memory_space<vmem>>
        %dma_wait3A_326 = tpu.memref_squeeze %dma_wait3A_325 : memref<1x128x128xf32, #tpu.memory_space<vmem>> -> memref<128x128xf32, #tpu.memory_space<vmem>>
        tpu.wait_dma2 semaphore(%arg17 : memref<!tpu.dma_semaphore, #tpu.memory_space<semaphore_mem>>) src(%dma_wait3A_326 : memref<128x128xf32, #tpu.memory_space<vmem>>) dst(%dma_wait3A_322 : memref<128x128xf32, #tpu.memory_space<hbm>>)
        %mul3A_327 = arith.constant 128 : i32
        %mul3A_328 = arith.muli %sub3A_265, %mul3A_327 : i32
        %dma_start3A_329 = arith.constant 3 : i32
        %dma_start3A_330 = arith.constant 0 : i32
        %dma_start3A_331 = arith.constant 0 : i32
        %dma_start3A_332 = tpu.memref_slice %arg6[%dma_start3A_329, %dma_start3A_330, %dma_start3A_331] : memref<7x128x128xf32, #tpu.memory_space<vmem>> -> memref<1x128x128xf32, #tpu.memory_space<vmem>>
        %dma_start3A_333 = tpu.memref_squeeze %dma_start3A_332 : memref<1x128x128xf32, #tpu.memory_space<vmem>> -> memref<128x128xf32, #tpu.memory_space<vmem>>
        %dma_start3A_334 = tpu.memref_slice %arg5[%mul3A_328] : memref<6400xi32, #tpu.memory_space<vmem>> -> memref<128xi32, #tpu.memory_space<vmem>>
        %dma_start3A_335 = arith.constant 0 : i32
        %dma_start3A_336 = arith.constant 0 : i32
        %dma_start3A_337 = tpu.memref_slice %arg3[%dma_start3A_335, %dma_start3A_336] : memref<100000x128xf32, #tpu.memory_space<hbm>> -> memref<100000x128xf32, #tpu.memory_space<hbm>>
        tpu.enqueue_indirect_dma source(%dma_start3A_337 : memref<100000x128xf32, #tpu.memory_space<hbm>>) target(%dma_start3A_333 : memref<128x128xf32, #tpu.memory_space<vmem>>) offsets(%dma_start3A_334 : memref<128xi32, #tpu.memory_space<vmem>>) semaphore(%arg10 : memref<!tpu.dma_semaphore, #tpu.memory_space<semaphore_mem>>)
      } else {
      }
      %add3A_274 = arith.constant 5 : i32
      %add3A_275 = arith.addi %add3A_184, %add3A_274 : i32
      %lt3A_276 = arith.constant 50 : i32
      %lt3A_277 = arith.cmpi slt, %add3A_275, %lt3A_276 : i32
      %convert_element_type3A_278 = arith.extui %lt3A_277 : i1 to i32
      %cond3A_279 = arith.constant 0 : i32
      %cond3A_280 = arith.cmpi ne, %convert_element_type3A_278, %cond3A_279 : i32
      scf.if %cond3A_280 {
        %dma_wait3A_312 = arith.constant 5 : i32
        %dma_wait3A_313 = arith.constant 0 : i32
        %dma_wait3A_314 = arith.constant 0 : i32
        %dma_wait3A_315 = tpu.memref_slice %arg6[%dma_wait3A_312, %dma_wait3A_313, %dma_wait3A_314] : memref<7x128x128xf32, #tpu.memory_space<vmem>> -> memref<1x128x128xf32, #tpu.memory_space<vmem>>
        %dma_wait3A_316 = tpu.memref_squeeze %dma_wait3A_315 : memref<1x128x128xf32, #tpu.memory_space<vmem>> -> memref<128x128xf32, #tpu.memory_space<vmem>>
        %dma_wait3A_317 = arith.constant 0 : i32
        %dma_wait3A_318 = arith.constant 0 : i32
        %dma_wait3A_319 = tpu.memref_slice %arg3[%dma_wait3A_317, %dma_wait3A_318] : memref<100000x128xf32, #tpu.memory_space<hbm>> -> memref<128x128xf32, #tpu.memory_space<hbm>>
        %dma_wait3A_320 = arith.constant 0 : i32
        %dma_wait3A_321 = arith.constant 0 : i32
        %dma_wait3A_322 = tpu.memref_slice %arg6[%dma_wait3A_312, %dma_wait3A_320, %dma_wait3A_321] : memref<7x128x128xf32, #tpu.memory_space<vmem>> -> memref<1x128x128xf32, #tpu.memory_space<vmem>>
        %dma_wait3A_323 = tpu.memref_squeeze %dma_wait3A_322 : memref<1x128x128xf32, #tpu.memory_space<vmem>> -> memref<128x128xf32, #tpu.memory_space<vmem>>
        %dma_wait3A_324 = arith.constant 0 : i32
        %dma_wait3A_325 = arith.constant 0 : i32
        %dma_wait3A_326 = tpu.memref_slice %arg3[%dma_wait3A_324, %dma_wait3A_325] : memref<100000x128xf32, #tpu.memory_space<hbm>> -> memref<128x128xf32, #tpu.memory_space<hbm>>
        tpu.wait_dma2 semaphore(%arg12 : memref<!tpu.dma_semaphore, #tpu.memory_space<semaphore_mem>>) src(%dma_wait3A_326 : memref<128x128xf32, #tpu.memory_space<hbm>>) dst(%dma_wait3A_323 : memref<128x128xf32, #tpu.memory_space<vmem>>)
        %mul3A_327 = arith.constant 128 : i32
        %mul3A_328 = arith.muli %add3A_275, %mul3A_327 : i32
        %add3A_329 = arith.addi %mul3A_2, %mul3A_328 : i32
        %dma_start3A_330 = arith.constant 5 : i32
        %dma_start3A_331 = arith.constant 0 : i32
        %dma_start3A_332 = arith.constant 0 : i32
        %dma_start3A_333 = tpu.memref_slice %arg6[%dma_start3A_330, %dma_start3A_331, %dma_start3A_332] : memref<7x128x128xf32, #tpu.memory_space<vmem>> -> memref<1x64x128xf32, #tpu.memory_space<vmem>>
        %dma_start3A_334 = tpu.memref_squeeze %dma_start3A_333 : memref<1x64x128xf32, #tpu.memory_space<vmem>> -> memref<64x128xf32, #tpu.memory_space<vmem>>
        %dma_start3A_335 = arith.constant 0 : i32
        %dma_start3A_336 = tpu.memref_slice %arg4[%add3A_329, %dma_start3A_335] : memref<204800x128xf32, #tpu.memory_space<hbm>> -> memref<64x128xf32, #tpu.memory_space<hbm>>
        %dma_start3A_337 = arith.constant 0 : i32
        %dma_start3A_338 = tpu.memref_slice %arg4[%add3A_329, %dma_start3A_337] : memref<204800x128xf32, #tpu.memory_space<hbm>> -> memref<64x128xf32, #tpu.memory_space<hbm>>
        %dma_start3A_339 = arith.constant 0 : i32
        %dma_start3A_340 = arith.constant 0 : i32
        %dma_start3A_341 = tpu.memref_slice %arg6[%dma_start3A_330, %dma_start3A_339, %dma_start3A_340] : memref<7x128x128xf32, #tpu.memory_space<vmem>> -> memref<1x64x128xf32, #tpu.memory_space<vmem>>
        %dma_start3A_342 = tpu.memref_squeeze %dma_start3A_341 : memref<1x64x128xf32, #tpu.memory_space<vmem>> -> memref<64x128xf32, #tpu.memory_space<vmem>>
        tpu.enqueue_dma source(%dma_start3A_342 : memref<64x128xf32, #tpu.memory_space<vmem>>) target(%dma_start3A_338 : memref<64x128xf32, #tpu.memory_space<hbm>>) target_semaphore(%arg19 : memref<!tpu.dma_semaphore, #tpu.memory_space<semaphore_mem>>)
        %mul3A_343 = arith.constant 128 : i32
        %mul3A_344 = arith.muli %add3A_275, %mul3A_343 : i32
        %add3A_345 = arith.addi %mul3A_2, %mul3A_344 : i32
        %add3A_346 = arith.constant 64 : i32
        %add3A_347 = arith.addi %add3A_345, %add3A_346 : i32
        %dma_start3A_348 = arith.constant 5 : i32
        %dma_start3A_349 = arith.constant 64 : i32
        %dma_start3A_350 = arith.constant 0 : i32
        %dma_start3A_351 = tpu.memref_slice %arg6[%dma_start3A_348, %dma_start3A_349, %dma_start3A_350] : memref<7x128x128xf32, #tpu.memory_space<vmem>> -> memref<1x64x128xf32, #tpu.memory_space<vmem>>
        %dma_start3A_352 = tpu.memref_squeeze %dma_start3A_351 : memref<1x64x128xf32, #tpu.memory_space<vmem>> -> memref<64x128xf32, #tpu.memory_space<vmem>>
        %dma_start3A_353 = arith.constant 0 : i32
        %dma_start3A_354 = tpu.memref_slice %arg4[%add3A_347, %dma_start3A_353] : memref<204800x128xf32, #tpu.memory_space<hbm>> -> memref<64x128xf32, #tpu.memory_space<hbm>>
        %dma_start3A_355 = arith.constant 0 : i32
        %dma_start3A_356 = tpu.memref_slice %arg4[%add3A_347, %dma_start3A_355] : memref<204800x128xf32, #tpu.memory_space<hbm>> -> memref<64x128xf32, #tpu.memory_space<hbm>>
        %dma_start3A_357 = arith.constant 64 : i32
        %dma_start3A_358 = arith.constant 0 : i32
        %dma_start3A_359 = tpu.memref_slice %arg6[%dma_start3A_348, %dma_start3A_357, %dma_start3A_358] : memref<7x128x128xf32, #tpu.memory_space<vmem>> -> memref<1x64x128xf32, #tpu.memory_space<vmem>>
        %dma_start3A_360 = tpu.memref_squeeze %dma_start3A_359 : memref<1x64x128xf32, #tpu.memory_space<vmem>> -> memref<64x128xf32, #tpu.memory_space<vmem>>
        tpu.enqueue_dma source(%dma_start3A_360 : memref<64x128xf32, #tpu.memory_space<vmem>>) target(%dma_start3A_356 : memref<64x128xf32, #tpu.memory_space<hbm>>) target_semaphore(%arg19 : memref<!tpu.dma_semaphore, #tpu.memory_space<semaphore_mem>>)
      } else {
      }
      %add3A_281 = arith.constant 7 : i32
      %add3A_282 = arith.addi %add3A_275, %add3A_281 : i32
      %sub3A_283 = arith.constant 1 : i32
      %sub3A_284 = arith.subi %add3A_282, %sub3A_283 : i32
      %ge3A_285 = arith.constant 7 : i32
      %ge3A_286 = arith.cmpi sge, %sub3A_284, %ge3A_285 : i32
      %lt3A_287 = arith.constant 50 : i32
      %lt3A_288 = arith.cmpi slt, %sub3A_284, %lt3A_287 : i32
      %and3A_289 = arith.andi %ge3A_286, %lt3A_288 : i1
      %convert_element_type3A_290 = arith.extui %and3A_289 : i1 to i32
      %cond3A_291 = arith.constant 0 : i32
      %cond3A_292 = arith.cmpi ne, %convert_element_type3A_290, %cond3A_291 : i32
      scf.if %cond3A_292 {
        %dma_wait3A_312 = arith.constant 4 : i32
        %dma_wait3A_313 = arith.constant 0 : i32
        %dma_wait3A_314 = arith.constant 0 : i32
        %dma_wait3A_315 = tpu.memref_slice %arg6[%dma_wait3A_312, %dma_wait3A_313, %dma_wait3A_314] : memref<7x128x128xf32, #tpu.memory_space<vmem>> -> memref<1x128x128xf32, #tpu.memory_space<vmem>>
        %dma_wait3A_316 = tpu.memref_squeeze %dma_wait3A_315 : memref<1x128x128xf32, #tpu.memory_space<vmem>> -> memref<128x128xf32, #tpu.memory_space<vmem>>
        %dma_wait3A_317 = arith.constant 0 : i32
        %dma_wait3A_318 = arith.constant 0 : i32
        %dma_wait3A_319 = tpu.memref_slice %arg4[%dma_wait3A_317, %dma_wait3A_318] : memref<204800x128xf32, #tpu.memory_space<hbm>> -> memref<128x128xf32, #tpu.memory_space<hbm>>
        %dma_wait3A_320 = arith.constant 0 : i32
        %dma_wait3A_321 = arith.constant 0 : i32
        %dma_wait3A_322 = tpu.memref_slice %arg4[%dma_wait3A_320, %dma_wait3A_321] : memref<204800x128xf32, #tpu.memory_space<hbm>> -> memref<128x128xf32, #tpu.memory_space<hbm>>
        %dma_wait3A_323 = arith.constant 0 : i32
        %dma_wait3A_324 = arith.constant 0 : i32
        %dma_wait3A_325 = tpu.memref_slice %arg6[%dma_wait3A_312, %dma_wait3A_323, %dma_wait3A_324] : memref<7x128x128xf32, #tpu.memory_space<vmem>> -> memref<1x128x128xf32, #tpu.memory_space<vmem>>
        %dma_wait3A_326 = tpu.memref_squeeze %dma_wait3A_325 : memref<1x128x128xf32, #tpu.memory_space<vmem>> -> memref<128x128xf32, #tpu.memory_space<vmem>>
        tpu.wait_dma2 semaphore(%arg18 : memref<!tpu.dma_semaphore, #tpu.memory_space<semaphore_mem>>) src(%dma_wait3A_326 : memref<128x128xf32, #tpu.memory_space<vmem>>) dst(%dma_wait3A_322 : memref<128x128xf32, #tpu.memory_space<hbm>>)
        %mul3A_327 = arith.constant 128 : i32
        %mul3A_328 = arith.muli %sub3A_284, %mul3A_327 : i32
        %dma_start3A_329 = arith.constant 4 : i32
        %dma_start3A_330 = arith.constant 0 : i32
        %dma_start3A_331 = arith.constant 0 : i32
        %dma_start3A_332 = tpu.memref_slice %arg6[%dma_start3A_329, %dma_start3A_330, %dma_start3A_331] : memref<7x128x128xf32, #tpu.memory_space<vmem>> -> memref<1x128x128xf32, #tpu.memory_space<vmem>>
        %dma_start3A_333 = tpu.memref_squeeze %dma_start3A_332 : memref<1x128x128xf32, #tpu.memory_space<vmem>> -> memref<128x128xf32, #tpu.memory_space<vmem>>
        %dma_start3A_334 = tpu.memref_slice %arg5[%mul3A_328] : memref<6400xi32, #tpu.memory_space<vmem>> -> memref<128xi32, #tpu.memory_space<vmem>>
        %dma_start3A_335 = arith.constant 0 : i32
        %dma_start3A_336 = arith.constant 0 : i32
        %dma_start3A_337 = tpu.memref_slice %arg3[%dma_start3A_335, %dma_start3A_336] : memref<100000x128xf32, #tpu.memory_space<hbm>> -> memref<100000x128xf32, #tpu.memory_space<hbm>>
        tpu.enqueue_indirect_dma source(%dma_start3A_337 : memref<100000x128xf32, #tpu.memory_space<hbm>>) target(%dma_start3A_333 : memref<128x128xf32, #tpu.memory_space<vmem>>) offsets(%dma_start3A_334 : memref<128xi32, #tpu.memory_space<vmem>>) semaphore(%arg11 : memref<!tpu.dma_semaphore, #tpu.memory_space<semaphore_mem>>)
      } else {
      }
      %add3A_293 = arith.constant 6 : i32
      %add3A_294 = arith.addi %add3A_184, %add3A_293 : i32
      %lt3A_295 = arith.constant 50 : i32
      %lt3A_296 = arith.cmpi slt, %add3A_294, %lt3A_295 : i32
      %convert_element_type3A_297 = arith.extui %lt3A_296 : i1 to i32
      %cond3A_298 = arith.constant 0 : i32
      %cond3A_299 = arith.cmpi ne, %convert_element_type3A_297, %cond3A_298 : i32
      scf.if %cond3A_299 {
        %dma_wait3A_312 = arith.constant 6 : i32
        %dma_wait3A_313 = arith.constant 0 : i32
        %dma_wait3A_314 = arith.constant 0 : i32
        %dma_wait3A_315 = tpu.memref_slice %arg6[%dma_wait3A_312, %dma_wait3A_313, %dma_wait3A_314] : memref<7x128x128xf32, #tpu.memory_space<vmem>> -> memref<1x128x128xf32, #tpu.memory_space<vmem>>
        %dma_wait3A_316 = tpu.memref_squeeze %dma_wait3A_315 : memref<1x128x128xf32, #tpu.memory_space<vmem>> -> memref<128x128xf32, #tpu.memory_space<vmem>>
        %dma_wait3A_317 = arith.constant 0 : i32
        %dma_wait3A_318 = arith.constant 0 : i32
        %dma_wait3A_319 = tpu.memref_slice %arg3[%dma_wait3A_317, %dma_wait3A_318] : memref<100000x128xf32, #tpu.memory_space<hbm>> -> memref<128x128xf32, #tpu.memory_space<hbm>>
        %dma_wait3A_320 = arith.constant 0 : i32
        %dma_wait3A_321 = arith.constant 0 : i32
        %dma_wait3A_322 = tpu.memref_slice %arg6[%dma_wait3A_312, %dma_wait3A_320, %dma_wait3A_321] : memref<7x128x128xf32, #tpu.memory_space<vmem>> -> memref<1x128x128xf32, #tpu.memory_space<vmem>>
        %dma_wait3A_323 = tpu.memref_squeeze %dma_wait3A_322 : memref<1x128x128xf32, #tpu.memory_space<vmem>> -> memref<128x128xf32, #tpu.memory_space<vmem>>
        %dma_wait3A_324 = arith.constant 0 : i32
        %dma_wait3A_325 = arith.constant 0 : i32
        %dma_wait3A_326 = tpu.memref_slice %arg3[%dma_wait3A_324, %dma_wait3A_325] : memref<100000x128xf32, #tpu.memory_space<hbm>> -> memref<128x128xf32, #tpu.memory_space<hbm>>
        tpu.wait_dma2 semaphore(%arg13 : memref<!tpu.dma_semaphore, #tpu.memory_space<semaphore_mem>>) src(%dma_wait3A_326 : memref<128x128xf32, #tpu.memory_space<hbm>>) dst(%dma_wait3A_323 : memref<128x128xf32, #tpu.memory_space<vmem>>)
        %mul3A_327 = arith.constant 128 : i32
        %mul3A_328 = arith.muli %add3A_294, %mul3A_327 : i32
        %add3A_329 = arith.addi %mul3A_2, %mul3A_328 : i32
        %dma_start3A_330 = arith.constant 6 : i32
        %dma_start3A_331 = arith.constant 0 : i32
        %dma_start3A_332 = arith.constant 0 : i32
        %dma_start3A_333 = tpu.memref_slice %arg6[%dma_start3A_330, %dma_start3A_331, %dma_start3A_332] : memref<7x128x128xf32, #tpu.memory_space<vmem>> -> memref<1x64x128xf32, #tpu.memory_space<vmem>>
        %dma_start3A_334 = tpu.memref_squeeze %dma_start3A_333 : memref<1x64x128xf32, #tpu.memory_space<vmem>> -> memref<64x128xf32, #tpu.memory_space<vmem>>
        %dma_start3A_335 = arith.constant 0 : i32
        %dma_start3A_336 = tpu.memref_slice %arg4[%add3A_329, %dma_start3A_335] : memref<204800x128xf32, #tpu.memory_space<hbm>> -> memref<64x128xf32, #tpu.memory_space<hbm>>
        %dma_start3A_337 = arith.constant 0 : i32
        %dma_start3A_338 = tpu.memref_slice %arg4[%add3A_329, %dma_start3A_337] : memref<204800x128xf32, #tpu.memory_space<hbm>> -> memref<64x128xf32, #tpu.memory_space<hbm>>
        %dma_start3A_339 = arith.constant 0 : i32
        %dma_start3A_340 = arith.constant 0 : i32
        %dma_start3A_341 = tpu.memref_slice %arg6[%dma_start3A_330, %dma_start3A_339, %dma_start3A_340] : memref<7x128x128xf32, #tpu.memory_space<vmem>> -> memref<1x64x128xf32, #tpu.memory_space<vmem>>
        %dma_start3A_342 = tpu.memref_squeeze %dma_start3A_341 : memref<1x64x128xf32, #tpu.memory_space<vmem>> -> memref<64x128xf32, #tpu.memory_space<vmem>>
        tpu.enqueue_dma source(%dma_start3A_342 : memref<64x128xf32, #tpu.memory_space<vmem>>) target(%dma_start3A_338 : memref<64x128xf32, #tpu.memory_space<hbm>>) target_semaphore(%arg20 : memref<!tpu.dma_semaphore, #tpu.memory_space<semaphore_mem>>)
        %mul3A_343 = arith.constant 128 : i32
        %mul3A_344 = arith.muli %add3A_294, %mul3A_343 : i32
        %add3A_345 = arith.addi %mul3A_2, %mul3A_344 : i32
        %add3A_346 = arith.constant 64 : i32
        %add3A_347 = arith.addi %add3A_345, %add3A_346 : i32
        %dma_start3A_348 = arith.constant 6 : i32
        %dma_start3A_349 = arith.constant 64 : i32
        %dma_start3A_350 = arith.constant 0 : i32
        %dma_start3A_351 = tpu.memref_slice %arg6[%dma_start3A_348, %dma_start3A_349, %dma_start3A_350] : memref<7x128x128xf32, #tpu.memory_space<vmem>> -> memref<1x64x128xf32, #tpu.memory_space<vmem>>
        %dma_start3A_352 = tpu.memref_squeeze %dma_start3A_351 : memref<1x64x128xf32, #tpu.memory_space<vmem>> -> memref<64x128xf32, #tpu.memory_space<vmem>>
        %dma_start3A_353 = arith.constant 0 : i32
        %dma_start3A_354 = tpu.memref_slice %arg4[%add3A_347, %dma_start3A_353] : memref<204800x128xf32, #tpu.memory_space<hbm>> -> memref<64x128xf32, #tpu.memory_space<hbm>>
        %dma_start3A_355 = arith.constant 0 : i32
        %dma_start3A_356 = tpu.memref_slice %arg4[%add3A_347, %dma_start3A_355] : memref<204800x128xf32, #tpu.memory_space<hbm>> -> memref<64x128xf32, #tpu.memory_space<hbm>>
        %dma_start3A_357 = arith.constant 64 : i32
        %dma_start3A_358 = arith.constant 0 : i32
        %dma_start3A_359 = tpu.memref_slice %arg6[%dma_start3A_348, %dma_start3A_357, %dma_start3A_358] : memref<7x128x128xf32, #tpu.memory_space<vmem>> -> memref<1x64x128xf32, #tpu.memory_space<vmem>>
        %dma_start3A_360 = tpu.memref_squeeze %dma_start3A_359 : memref<1x64x128xf32, #tpu.memory_space<vmem>> -> memref<64x128xf32, #tpu.memory_space<vmem>>
        tpu.enqueue_dma source(%dma_start3A_360 : memref<64x128xf32, #tpu.memory_space<vmem>>) target(%dma_start3A_356 : memref<64x128xf32, #tpu.memory_space<hbm>>) target_semaphore(%arg20 : memref<!tpu.dma_semaphore, #tpu.memory_space<semaphore_mem>>)
      } else {
      }
      %add3A_300 = arith.constant 7 : i32
      %add3A_301 = arith.addi %add3A_294, %add3A_300 : i32
      %sub3A_302 = arith.constant 1 : i32
      %sub3A_303 = arith.subi %add3A_301, %sub3A_302 : i32
      %ge3A_304 = arith.constant 7 : i32
      %ge3A_305 = arith.cmpi sge, %sub3A_303, %ge3A_304 : i32
      %lt3A_306 = arith.constant 50 : i32
      %lt3A_307 = arith.cmpi slt, %sub3A_303, %lt3A_306 : i32
      %and3A_308 = arith.andi %ge3A_305, %lt3A_307 : i1
      %convert_element_type3A_309 = arith.extui %and3A_308 : i1 to i32
      %cond3A_310 = arith.constant 0 : i32
      %cond3A_311 = arith.cmpi ne, %convert_element_type3A_309, %cond3A_310 : i32
      scf.if %cond3A_311 {
        %dma_wait3A_312 = arith.constant 5 : i32
        %dma_wait3A_313 = arith.constant 0 : i32
        %dma_wait3A_314 = arith.constant 0 : i32
        %dma_wait3A_315 = tpu.memref_slice %arg6[%dma_wait3A_312, %dma_wait3A_313, %dma_wait3A_314] : memref<7x128x128xf32, #tpu.memory_space<vmem>> -> memref<1x128x128xf32, #tpu.memory_space<vmem>>
        %dma_wait3A_316 = tpu.memref_squeeze %dma_wait3A_315 : memref<1x128x128xf32, #tpu.memory_space<vmem>> -> memref<128x128xf32, #tpu.memory_space<vmem>>
        %dma_wait3A_317 = arith.constant 0 : i32
        %dma_wait3A_318 = arith.constant 0 : i32
        %dma_wait3A_319 = tpu.memref_slice %arg4[%dma_wait3A_317, %dma_wait3A_318] : memref<204800x128xf32, #tpu.memory_space<hbm>> -> memref<128x128xf32, #tpu.memory_space<hbm>>
        %dma_wait3A_320 = arith.constant 0 : i32
        %dma_wait3A_321 = arith.constant 0 : i32
        %dma_wait3A_322 = tpu.memref_slice %arg4[%dma_wait3A_320, %dma_wait3A_321] : memref<204800x128xf32, #tpu.memory_space<hbm>> -> memref<128x128xf32, #tpu.memory_space<hbm>>
        %dma_wait3A_323 = arith.constant 0 : i32
        %dma_wait3A_324 = arith.constant 0 : i32
        %dma_wait3A_325 = tpu.memref_slice %arg6[%dma_wait3A_312, %dma_wait3A_323, %dma_wait3A_324] : memref<7x128x128xf32, #tpu.memory_space<vmem>> -> memref<1x128x128xf32, #tpu.memory_space<vmem>>
        %dma_wait3A_326 = tpu.memref_squeeze %dma_wait3A_325 : memref<1x128x128xf32, #tpu.memory_space<vmem>> -> memref<128x128xf32, #tpu.memory_space<vmem>>
        tpu.wait_dma2 semaphore(%arg19 : memref<!tpu.dma_semaphore, #tpu.memory_space<semaphore_mem>>) src(%dma_wait3A_326 : memref<128x128xf32, #tpu.memory_space<vmem>>) dst(%dma_wait3A_322 : memref<128x128xf32, #tpu.memory_space<hbm>>)
        %mul3A_327 = arith.constant 128 : i32
        %mul3A_328 = arith.muli %sub3A_303, %mul3A_327 : i32
        %dma_start3A_329 = arith.constant 5 : i32
        %dma_start3A_330 = arith.constant 0 : i32
        %dma_start3A_331 = arith.constant 0 : i32
        %dma_start3A_332 = tpu.memref_slice %arg6[%dma_start3A_329, %dma_start3A_330, %dma_start3A_331] : memref<7x128x128xf32, #tpu.memory_space<vmem>> -> memref<1x128x128xf32, #tpu.memory_space<vmem>>
        %dma_start3A_333 = tpu.memref_squeeze %dma_start3A_332 : memref<1x128x128xf32, #tpu.memory_space<vmem>> -> memref<128x128xf32, #tpu.memory_space<vmem>>
        %dma_start3A_334 = tpu.memref_slice %arg5[%mul3A_328] : memref<6400xi32, #tpu.memory_space<vmem>> -> memref<128xi32, #tpu.memory_space<vmem>>
        %dma_start3A_335 = arith.constant 0 : i32
        %dma_start3A_336 = arith.constant 0 : i32
        %dma_start3A_337 = tpu.memref_slice %arg3[%dma_start3A_335, %dma_start3A_336] : memref<100000x128xf32, #tpu.memory_space<hbm>> -> memref<100000x128xf32, #tpu.memory_space<hbm>>
        tpu.enqueue_indirect_dma source(%dma_start3A_337 : memref<100000x128xf32, #tpu.memory_space<hbm>>) target(%dma_start3A_333 : memref<128x128xf32, #tpu.memory_space<vmem>>) offsets(%dma_start3A_334 : memref<128xi32, #tpu.memory_space<vmem>>) semaphore(%arg12 : memref<!tpu.dma_semaphore, #tpu.memory_space<semaphore_mem>>)
      } else {
      }
    }
    %scan3A_75 = arith.constant 8 : i32
    %dma_wait3A = arith.constant 0 : i32
    %dma_wait3A_76 = arith.constant 0 : i32
    %dma_wait3A_77 = arith.constant 0 : i32
    %dma_wait3A_78 = tpu.memref_slice %arg6[%dma_wait3A, %dma_wait3A_76, %dma_wait3A_77] : memref<7x128x128xf32, #tpu.memory_space<vmem>> -> memref<1x128x128xf32, #tpu.memory_space<vmem>>
    %dma_wait3A_79 = tpu.memref_squeeze %dma_wait3A_78 : memref<1x128x128xf32, #tpu.memory_space<vmem>> -> memref<128x128xf32, #tpu.memory_space<vmem>>
    %dma_wait3A_80 = arith.constant 0 : i32
    %dma_wait3A_81 = arith.constant 0 : i32
    %dma_wait3A_82 = tpu.memref_slice %arg4[%dma_wait3A_80, %dma_wait3A_81] : memref<204800x128xf32, #tpu.memory_space<hbm>> -> memref<128x128xf32, #tpu.memory_space<hbm>>
    %dma_wait3A_83 = arith.constant 0 : i32
    %dma_wait3A_84 = arith.constant 0 : i32
    %dma_wait3A_85 = tpu.memref_slice %arg4[%dma_wait3A_83, %dma_wait3A_84] : memref<204800x128xf32, #tpu.memory_space<hbm>> -> memref<128x128xf32, #tpu.memory_space<hbm>>
    %dma_wait3A_86 = arith.constant 0 : i32
    %dma_wait3A_87 = arith.constant 0 : i32
    %dma_wait3A_88 = tpu.memref_slice %arg6[%dma_wait3A, %dma_wait3A_86, %dma_wait3A_87] : memref<7x128x128xf32, #tpu.memory_space<vmem>> -> memref<1x128x128xf32, #tpu.memory_space<vmem>>
    %dma_wait3A_89 = tpu.memref_squeeze %dma_wait3A_88 : memref<1x128x128xf32, #tpu.memory_space<vmem>> -> memref<128x128xf32, #tpu.memory_space<vmem>>
    tpu.wait_dma2 semaphore(%arg14 : memref<!tpu.dma_semaphore, #tpu.memory_space<semaphore_mem>>) src(%dma_wait3A_89 : memref<128x128xf32, #tpu.memory_space<vmem>>) dst(%dma_wait3A_85 : memref<128x128xf32, #tpu.memory_space<hbm>>)
    %dma_wait3A_90 = arith.constant 1 : i32
    %dma_wait3A_91 = arith.constant 0 : i32
    %dma_wait3A_92 = arith.constant 0 : i32
    %dma_wait3A_93 = tpu.memref_slice %arg6[%dma_wait3A_90, %dma_wait3A_91, %dma_wait3A_92] : memref<7x128x128xf32, #tpu.memory_space<vmem>> -> memref<1x128x128xf32, #tpu.memory_space<vmem>>
    %dma_wait3A_94 = tpu.memref_squeeze %dma_wait3A_93 : memref<1x128x128xf32, #tpu.memory_space<vmem>> -> memref<128x128xf32, #tpu.memory_space<vmem>>
    %dma_wait3A_95 = arith.constant 0 : i32
    %dma_wait3A_96 = arith.constant 0 : i32
    %dma_wait3A_97 = tpu.memref_slice %arg4[%dma_wait3A_95, %dma_wait3A_96] : memref<204800x128xf32, #tpu.memory_space<hbm>> -> memref<128x128xf32, #tpu.memory_space<hbm>>
    %dma_wait3A_98 = arith.constant 0 : i32
    %dma_wait3A_99 = arith.constant 0 : i32
    %dma_wait3A_100 = tpu.memref_slice %arg4[%dma_wait3A_98, %dma_wait3A_99] : memref<204800x128xf32, #tpu.memory_space<hbm>> -> memref<128x128xf32, #tpu.memory_space<hbm>>
    %dma_wait3A_101 = arith.constant 0 : i32
    %dma_wait3A_102 = arith.constant 0 : i32
    %dma_wait3A_103 = tpu.memref_slice %arg6[%dma_wait3A_90, %dma_wait3A_101, %dma_wait3A_102] : memref<7x128x128xf32, #tpu.memory_space<vmem>> -> memref<1x128x128xf32, #tpu.memory_space<vmem>>
    %dma_wait3A_104 = tpu.memref_squeeze %dma_wait3A_103 : memref<1x128x128xf32, #tpu.memory_space<vmem>> -> memref<128x128xf32, #tpu.memory_space<vmem>>
    tpu.wait_dma2 semaphore(%arg15 : memref<!tpu.dma_semaphore, #tpu.memory_space<semaphore_mem>>) src(%dma_wait3A_104 : memref<128x128xf32, #tpu.memory_space<vmem>>) dst(%dma_wait3A_100 : memref<128x128xf32, #tpu.memory_space<hbm>>)
    %dma_wait3A_105 = arith.constant 2 : i32
    %dma_wait3A_106 = arith.constant 0 : i32
    %dma_wait3A_107 = arith.constant 0 : i32
    %dma_wait3A_108 = tpu.memref_slice %arg6[%dma_wait3A_105, %dma_wait3A_106, %dma_wait3A_107] : memref<7x128x128xf32, #tpu.memory_space<vmem>> -> memref<1x128x128xf32, #tpu.memory_space<vmem>>
    %dma_wait3A_109 = tpu.memref_squeeze %dma_wait3A_108 : memref<1x128x128xf32, #tpu.memory_space<vmem>> -> memref<128x128xf32, #tpu.memory_space<vmem>>
    %dma_wait3A_110 = arith.constant 0 : i32
    %dma_wait3A_111 = arith.constant 0 : i32
    %dma_wait3A_112 = tpu.memref_slice %arg4[%dma_wait3A_110, %dma_wait3A_111] : memref<204800x128xf32, #tpu.memory_space<hbm>> -> memref<128x128xf32, #tpu.memory_space<hbm>>
    %dma_wait3A_113 = arith.constant 0 : i32
    %dma_wait3A_114 = arith.constant 0 : i32
    %dma_wait3A_115 = tpu.memref_slice %arg4[%dma_wait3A_113, %dma_wait3A_114] : memref<204800x128xf32, #tpu.memory_space<hbm>> -> memref<128x128xf32, #tpu.memory_space<hbm>>
    %dma_wait3A_116 = arith.constant 0 : i32
    %dma_wait3A_117 = arith.constant 0 : i32
    %dma_wait3A_118 = tpu.memref_slice %arg6[%dma_wait3A_105, %dma_wait3A_116, %dma_wait3A_117] : memref<7x128x128xf32, #tpu.memory_space<vmem>> -> memref<1x128x128xf32, #tpu.memory_space<vmem>>
    %dma_wait3A_119 = tpu.memref_squeeze %dma_wait3A_118 : memref<1x128x128xf32, #tpu.memory_space<vmem>> -> memref<128x128xf32, #tpu.memory_space<vmem>>
    tpu.wait_dma2 semaphore(%arg16 : memref<!tpu.dma_semaphore, #tpu.memory_space<semaphore_mem>>) src(%dma_wait3A_119 : memref<128x128xf32, #tpu.memory_space<vmem>>) dst(%dma_wait3A_115 : memref<128x128xf32, #tpu.memory_space<hbm>>)
    %dma_wait3A_120 = arith.constant 3 : i32
    %dma_wait3A_121 = arith.constant 0 : i32
    %dma_wait3A_122 = arith.constant 0 : i32
    %dma_wait3A_123 = tpu.memref_slice %arg6[%dma_wait3A_120, %dma_wait3A_121, %dma_wait3A_122] : memref<7x128x128xf32, #tpu.memory_space<vmem>> -> memref<1x128x128xf32, #tpu.memory_space<vmem>>
    %dma_wait3A_124 = tpu.memref_squeeze %dma_wait3A_123 : memref<1x128x128xf32, #tpu.memory_space<vmem>> -> memref<128x128xf32, #tpu.memory_space<vmem>>
    %dma_wait3A_125 = arith.constant 0 : i32
    %dma_wait3A_126 = arith.constant 0 : i32
    %dma_wait3A_127 = tpu.memref_slice %arg4[%dma_wait3A_125, %dma_wait3A_126] : memref<204800x128xf32, #tpu.memory_space<hbm>> -> memref<128x128xf32, #tpu.memory_space<hbm>>
    %dma_wait3A_128 = arith.constant 0 : i32
    %dma_wait3A_129 = arith.constant 0 : i32
    %dma_wait3A_130 = tpu.memref_slice %arg4[%dma_wait3A_128, %dma_wait3A_129] : memref<204800x128xf32, #tpu.memory_space<hbm>> -> memref<128x128xf32, #tpu.memory_space<hbm>>
    %dma_wait3A_131 = arith.constant 0 : i32
    %dma_wait3A_132 = arith.constant 0 : i32
    %dma_wait3A_133 = tpu.memref_slice %arg6[%dma_wait3A_120, %dma_wait3A_131, %dma_wait3A_132] : memref<7x128x128xf32, #tpu.memory_space<vmem>> -> memref<1x128x128xf32, #tpu.memory_space<vmem>>
    %dma_wait3A_134 = tpu.memref_squeeze %dma_wait3A_133 : memref<1x128x128xf32, #tpu.memory_space<vmem>> -> memref<128x128xf32, #tpu.memory_space<vmem>>
    tpu.wait_dma2 semaphore(%arg17 : memref<!tpu.dma_semaphore, #tpu.memory_space<semaphore_mem>>) src(%dma_wait3A_134 : memref<128x128xf32, #tpu.memory_space<vmem>>) dst(%dma_wait3A_130 : memref<128x128xf32, #tpu.memory_space<hbm>>)
    %dma_wait3A_135 = arith.constant 4 : i32
    %dma_wait3A_136 = arith.constant 0 : i32
    %dma_wait3A_137 = arith.constant 0 : i32
    %dma_wait3A_138 = tpu.memref_slice %arg6[%dma_wait3A_135, %dma_wait3A_136, %dma_wait3A_137] : memref<7x128x128xf32, #tpu.memory_space<vmem>> -> memref<1x128x128xf32, #tpu.memory_space<vmem>>
    %dma_wait3A_139 = tpu.memref_squeeze %dma_wait3A_138 : memref<1x128x128xf32, #tpu.memory_space<vmem>> -> memref<128x128xf32, #tpu.memory_space<vmem>>
    %dma_wait3A_140 = arith.constant 0 : i32
    %dma_wait3A_141 = arith.constant 0 : i32
    %dma_wait3A_142 = tpu.memref_slice %arg4[%dma_wait3A_140, %dma_wait3A_141] : memref<204800x128xf32, #tpu.memory_space<hbm>> -> memref<128x128xf32, #tpu.memory_space<hbm>>
    %dma_wait3A_143 = arith.constant 0 : i32
    %dma_wait3A_144 = arith.constant 0 : i32
    %dma_wait3A_145 = tpu.memref_slice %arg4[%dma_wait3A_143, %dma_wait3A_144] : memref<204800x128xf32, #tpu.memory_space<hbm>> -> memref<128x128xf32, #tpu.memory_space<hbm>>
    %dma_wait3A_146 = arith.constant 0 : i32
    %dma_wait3A_147 = arith.constant 0 : i32
    %dma_wait3A_148 = tpu.memref_slice %arg6[%dma_wait3A_135, %dma_wait3A_146, %dma_wait3A_147] : memref<7x128x128xf32, #tpu.memory_space<vmem>> -> memref<1x128x128xf32, #tpu.memory_space<vmem>>
    %dma_wait3A_149 = tpu.memref_squeeze %dma_wait3A_148 : memref<1x128x128xf32, #tpu.memory_space<vmem>> -> memref<128x128xf32, #tpu.memory_space<vmem>>
    tpu.wait_dma2 semaphore(%arg18 : memref<!tpu.dma_semaphore, #tpu.memory_space<semaphore_mem>>) src(%dma_wait3A_149 : memref<128x128xf32, #tpu.memory_space<vmem>>) dst(%dma_wait3A_145 : memref<128x128xf32, #tpu.memory_space<hbm>>)
    %dma_wait3A_150 = arith.constant 5 : i32
    %dma_wait3A_151 = arith.constant 0 : i32
    %dma_wait3A_152 = arith.constant 0 : i32
    %dma_wait3A_153 = tpu.memref_slice %arg6[%dma_wait3A_150, %dma_wait3A_151, %dma_wait3A_152] : memref<7x128x128xf32, #tpu.memory_space<vmem>> -> memref<1x128x128xf32, #tpu.memory_space<vmem>>
    %dma_wait3A_154 = tpu.memref_squeeze %dma_wait3A_153 : memref<1x128x128xf32, #tpu.memory_space<vmem>> -> memref<128x128xf32, #tpu.memory_space<vmem>>
    %dma_wait3A_155 = arith.constant 0 : i32
    %dma_wait3A_156 = arith.constant 0 : i32
    %dma_wait3A_157 = tpu.memref_slice %arg4[%dma_wait3A_155, %dma_wait3A_156] : memref<204800x128xf32, #tpu.memory_space<hbm>> -> memref<128x128xf32, #tpu.memory_space<hbm>>
    %dma_wait3A_158 = arith.constant 0 : i32
    %dma_wait3A_159 = arith.constant 0 : i32
    %dma_wait3A_160 = tpu.memref_slice %arg4[%dma_wait3A_158, %dma_wait3A_159] : memref<204800x128xf32, #tpu.memory_space<hbm>> -> memref<128x128xf32, #tpu.memory_space<hbm>>
    %dma_wait3A_161 = arith.constant 0 : i32
    %dma_wait3A_162 = arith.constant 0 : i32
    %dma_wait3A_163 = tpu.memref_slice %arg6[%dma_wait3A_150, %dma_wait3A_161, %dma_wait3A_162] : memref<7x128x128xf32, #tpu.memory_space<vmem>> -> memref<1x128x128xf32, #tpu.memory_space<vmem>>
    %dma_wait3A_164 = tpu.memref_squeeze %dma_wait3A_163 : memref<1x128x128xf32, #tpu.memory_space<vmem>> -> memref<128x128xf32, #tpu.memory_space<vmem>>
    tpu.wait_dma2 semaphore(%arg19 : memref<!tpu.dma_semaphore, #tpu.memory_space<semaphore_mem>>) src(%dma_wait3A_164 : memref<128x128xf32, #tpu.memory_space<vmem>>) dst(%dma_wait3A_160 : memref<128x128xf32, #tpu.memory_space<hbm>>)
    %dma_wait3A_165 = arith.constant 6 : i32
    %dma_wait3A_166 = arith.constant 0 : i32
    %dma_wait3A_167 = arith.constant 0 : i32
    %dma_wait3A_168 = tpu.memref_slice %arg6[%dma_wait3A_165, %dma_wait3A_166, %dma_wait3A_167] : memref<7x128x128xf32, #tpu.memory_space<vmem>> -> memref<1x128x128xf32, #tpu.memory_space<vmem>>
    %dma_wait3A_169 = tpu.memref_squeeze %dma_wait3A_168 : memref<1x128x128xf32, #tpu.memory_space<vmem>> -> memref<128x128xf32, #tpu.memory_space<vmem>>
    %dma_wait3A_170 = arith.constant 0 : i32
    %dma_wait3A_171 = arith.constant 0 : i32
    %dma_wait3A_172 = tpu.memref_slice %arg4[%dma_wait3A_170, %dma_wait3A_171] : memref<204800x128xf32, #tpu.memory_space<hbm>> -> memref<128x128xf32, #tpu.memory_space<hbm>>
    %dma_wait3A_173 = arith.constant 0 : i32
    %dma_wait3A_174 = arith.constant 0 : i32
    %dma_wait3A_175 = tpu.memref_slice %arg4[%dma_wait3A_173, %dma_wait3A_174] : memref<204800x128xf32, #tpu.memory_space<hbm>> -> memref<128x128xf32, #tpu.memory_space<hbm>>
    %dma_wait3A_176 = arith.constant 0 : i32
    %dma_wait3A_177 = arith.constant 0 : i32
    %dma_wait3A_178 = tpu.memref_slice %arg6[%dma_wait3A_165, %dma_wait3A_176, %dma_wait3A_177] : memref<7x128x128xf32, #tpu.memory_space<vmem>> -> memref<1x128x128xf32, #tpu.memory_space<vmem>>
    %dma_wait3A_179 = tpu.memref_squeeze %dma_wait3A_178 : memref<1x128x128xf32, #tpu.memory_space<vmem>> -> memref<128x128xf32, #tpu.memory_space<vmem>>
    tpu.wait_dma2 semaphore(%arg20 : memref<!tpu.dma_semaphore, #tpu.memory_space<semaphore_mem>>) src(%dma_wait3A_179 : memref<128x128xf32, #tpu.memory_space<vmem>>) dst(%dma_wait3A_175 : memref<128x128xf32, #tpu.memory_space<hbm>>)
    return
  }
}

</mosaic_0001>

<sc_bundles>
// kernel: kernel.3.cloned.1.call-start
scs
__scs_entry_jumppad:
0x0: {  	(pc) =	sbr.rel $0x88, $3  }
0x1: {  	(tag) =	ssettag $0x0;
	lr =	simm.s32 $0x1  }
0x2: {  	[smem:$0x3F9F] =	sst lr;
	_ =	strace $0xD0000000  }
0x3: {  	_ = 	snop  }
0x4: {  	_ = 	snop  }
0x5: {  	_ = 	snop  }
0x6: {  	_ = 	snop  }
0x7: {  	_ = 	snop  }
__scs_overlays_trampoline_lowered:
0x8: {  	[smem:$0x3FAE] =	sst s0  }
0x9: {  	[smem:$0x3FAF] =	sst s1  }
0xa: {  	[smem:$0x3FB0] =	sst s2  }
0xb: {  	[smem:$0x3FB1] =	sst s3  }
0xc: {  	[smem:$0x3FB2] =	sst s4  }
0xd: {  	[smem:$0x3FB3] =	sst s5  }
0xe: {  	[smem:$0x3FB4] =	sst s6  }
0xf: {  	[smem:$0x3FB5] =	sst s7  }
0x10: {  	[smem:$0x3FB6] =	sst s8  }
0x11: {  	[smem:$0x3FB7] =	sst s9;
	s0 =	simm.s32 @!p0 $0x0  }
0x12: {  	s1 =	sld [smem:$0x3F9D];
	s0 =	simm.s32 @p0 $0x1  }
0x13: {  	[smem:$0x3FB8] =	sst s0;
	s0 =	simm.s32 @!p1 $0x0  }
0x14: {  	s2 =	sld [smem:$0x3F9C];
	s0 =	simm.s32 @p1 $0x1  }
0x15: {  	[smem:$0x3FB9] =	sst s0;
	s0 =	simm.s32 @!p2 $0x0  }
0x16: {  	s3 =	sld [smem:$0x3FDB];
	s0 =	simm.s32 @p2 $0x1  }
0x17: {  	s4 =	simm.s32 $0x1BF5;
	[smem:$0x3FBB] =	sst s0  }
0x18: {  	s0 =	sld [smem:$0x3F9E];
	_ =	swait.ge [sflag:s4], $0x0  }
0x19: {  	s7 =	sld [smem:$0x3F9F]  }
0x1a: {  	s8 =	sadd.s32 $0xFFFFE003, lr  }
0x1b: {  	s9 =	sadd.s32 $0xFFFFFEF7, lr;
	s5 =	simm.s32 $0xFFFFFFFF;
	p2 =	slt.u32 s8, $0xFFFFF086  }
0x1c: {  	p1 =	slt.u32 s9, $0xF7A;
	s5 =	simm.s32 @!p2 $0x0  }
0x1d: {  	s5 =	simm.s32 @p1 $0x1;
	p0 =	seq.s32 s7, s2  }
0x1e: {  	s7 =	smul.u32 @!p0 $0xF7A, s2;
	p2 =	seq.s32 @!p0 s5, $0x0  }
0x1f: {  	s9 =	smul.u32 $0xF7A, s1;
	s8 =	simm.s32 @!p0 $0x1BF5;
	p2 =	por !p2, p0  }
0x20: {  	[sflag:s8] =	ssyncset.s32 @!p0 $0xFFFFF086;
	s6 =	sadd.s32 @!p0 s3, s7;
	s7 =	simm.s32 @!p0 $0x108  }
0x21: {  	s3 =	sadd.s32 s3, s9;
	s6 =	sadd.s32 @!p0 $0x88, s6;
	s7 =	simm.s32 @p2 $0x1082  }
0x22: {  	[simem:s7], [sflag:s8] =	dma.local @!p0 [hbm:s6], $0xF7A  }
0x23: {  	s9 =	sor.u32 $0xD0000000, s2;
	s6 =	simm.s32 $0x108;
	_ =	swait.ge @!p0 [sflag:s8], $0x0  }
0x24: {  	s3 =	sadd.s32 $0x88, s3;
	s6 =	simm.s32 @!p1 $0x1082;
	[sflag:s4] =	ssyncset.s32 $0xFFFFF086  }
0x25: {  	[simem:s6], [sflag:s4] =	dma.local [hbm:s3], $0xF7A  }
0x26: {  	[smem:$0x3F9F] =	sst s1;
	(tag) =	ssettag s2;
	_ =	strace s9  }
0x27: {  	s1 =	sld [smem:$0x3FAF]  }
0x28: {  	s2 =	sld [smem:$0x3FB0]  }
0x29: {  	s4 =	sld [smem:$0x3FB2]  }
0x2a: {  	p0 =	seq.s32 s5, $0x0;
	s5 =	sld [smem:$0x3FB3]  }
0x2b: {  	s6 =	sld [smem:$0x3FB4]  }
0x2c: {  	s7 =	sld [smem:$0x3FB5]  }
0x2d: {  	s3 =	simm.s32 $0x108;
	s8 =	sld [smem:$0x3FB6]  }
0x2e: {  	s3 =	simm.s32 @!p0 $0x1082;
	s9 =	sld [smem:$0x3FB7]  }
0x2f: {  	lr =	sadd.s32 s0, s3;
	s0 =	sld [smem:$0x3FAE]  }
0x30: {  	s3 =	sld [smem:$0x3FB1]  }
0x31: {  	[smem:$0x3FBA] =	sst s10  }
0x32: {  	s10 =	sld [smem:$0x3FB8];
	_ =	sdelay $0x3  }
0x33: {  	p0 =	seq.s32 s10, $0x1;
	s10 =	sld [smem:$0x3FBA];
	_ =	sdelay $0x3  }
0x34: {  	[smem:$0x3FBA] =	sst s10  }
0x35: {  	s10 =	sld [smem:$0x3FB9];
	_ =	sdelay $0x3  }
0x36: {  	p1 =	seq.s32 s10, $0x1;
	s10 =	sld [smem:$0x3FBA];
	_ =	sdelay $0x3  }
0x37: {  	[smem:$0x3FBA] =	sst s10  }
0x38: {  	s10 =	sld [smem:$0x3FBB]  }
0x39: {  	_ = 	snop;
	(pc) =	sbr.ind lr, $3  }
0x3a: {  	_ = 	snop  }
0x3b: {  	_ = 	snop  }
0x3c: {  	p2 =	seq.s32 s10, $0x1;
	s10 =	sld [smem:$0x3FBA]  }
0x3d: {  	_ =	shalt  }
0x3e: {  	_ =	shalt  }
0x3f: {  	_ =	shalt  }
0x40: {  	_ =	shalt  }
0x41: {  	_ =	shalt  }
0x42: {  	_ =	shalt  }
0x43: {  	_ =	shalt  }
0x44: {  	_ =	shalt  }
0x45: {  	_ =	shalt  }
0x46: {  	_ =	shalt  }
0x47: {  	_ =	shalt  }
0x48: {  	_ =	shalt  }
0x49: {  	_ =	shalt  }
0x4a: {  	_ =	shalt  }
0x4b: {  	_ =	shalt  }
0x4c: {  	_ =	shalt  }
0x4d: {  	_ =	shalt  }
0x4e: {  	_ =	shalt  }
0x4f: {  	_ =	shalt  }
0x50: {  	_ =	shalt  }
0x51: {  	_ =	shalt  }
0x52: {  	_ =	shalt  }
0x53: {  	_ =	shalt  }
0x54: {  	_ =	shalt  }
0x55: {  	_ =	shalt  }
0x56: {  	_ =	shalt  }
0x57: {  	_ =	shalt  }
0x58: {  	_ =	shalt  }
0x59: {  	_ =	shalt  }
0x5a: {  	_ =	shalt  }
0x5b: {  	_ =	shalt  }
0x5c: {  	_ =	shalt  }
0x5d: {  	_ =	shalt  }
0x5e: {  	_ =	shalt  }
0x5f: {  	_ =	shalt  }
0x60: {  	_ =	shalt  }
0x61: {  	_ =	shalt  }
0x62: {  	_ =	shalt  }
0x63: {  	_ =	shalt  }
0x64: {  	_ =	shalt  }
0x65: {  	_ =	shalt  }
0x66: {  	_ =	shalt  }
0x67: {  	_ =	shalt  }
0x68: {  	_ =	shalt  }
0x69: {  	_ =	shalt  }
0x6a: {  	_ =	shalt  }
0x6b: {  	_ =	shalt  }
0x6c: {  	_ =	shalt  }
0x6d: {  	_ =	shalt  }
0x6e: {  	_ =	shalt  }
0x6f: {  	_ =	shalt  }
0x70: {  	_ =	shalt  }
0x71: {  	_ =	shalt  }
0x72: {  	_ =	shalt  }
0x73: {  	_ =	shalt  }
0x74: {  	_ =	shalt  }
0x75: {  	_ =	shalt  }
0x76: {  	_ =	shalt  }
0x77: {  	_ =	shalt  }
0x78: {  	_ =	shalt  }
0x79: {  	_ =	shalt  }
0x7a: {  	_ =	shalt  }
0x7b: {  	_ =	shalt  }
0x7c: {  	_ =	shalt  }
0x7d: {  	_ =	shalt  }
0x7e: {  	_ =	shalt  }
0x7f: {  	_ =	shalt  }
0x80: {  	_ =	shalt  }
0x81: {  	_ =	shalt  }
0x82: {  	_ =	shalt  }
0x83: {  	_ =	shalt  }
0x84: {  	_ =	shalt  }
0x85: {  	_ =	shalt  }
0x86: {  	_ =	shalt  }
0x87: {  	_ =	shalt  }
.Lfunc_end0:
.L_simem_size_0:
called_computation.1_lowered:
.L_overlay_start_0:
0x88: {  	s2 =	sld [smem:$0x3FD9]  }
0x89: {  	s3 =	sld [smem:$0x3FFE];
	_ =	sdelay $0x1  }
0x8a: {  	s1 =	srdreg.scid  }
0x8b: {  	s0 =	sand.u32 $0x1, s1  }
0x8c: {  	s17 =	sshll.u32 s0, $0xA;
	s2 =	sadd.s32 s3, s2  }
0x8d: {  	s2 =	sadd.s32 s2, s17  }
0x8e: {  	[smem:$0x3FC6] =	sst s2  }
0x8f: {  	_ = 	snop  }
0x90: {  	s2 =	sld [smem:$0x3FC8]  }
0x91: {  	s18 =	sld [smem:$0x3FD0];
	(tm) =	ssettm $0x1  }
0x92: {  	s4 =	sld [smem:$0x3FFB];
	_ =	sdelay $0x3  }
0x93: {  	_ =	strace s4  }
0x94: {  	s4 =	sld [smem:$0x3FFC];
	_ =	sdelay $0x3  }
0x95: {  	_ =	strace s4  }
0x96: {  	s4 =	sld [smem:$0x3FFD];
	_ =	sdelay $0x3  }
0x97: {  	_ =	strace s4  }
0x98: {  	_ =	strace $0x8FFFFFFF  }
0x99: {  	s19 =	sld [smem:$0x3FDB];
	_ =	sdelay $0x1  }
0x9a: {  	s5 =	simm.s32 $_scs_section_size  }
0x9b: {  	s6 =	simm.s32 $_size__tile_overlayer_lowered;
	s7 =	simm.s32 $_tile_overlayer_lowered  }
0x9c: {  	s22 =	simm.s32 $0x1BFF;
	s21 =	sshll.u32 s7, $0x1;
	s4 =	sadd.s32 s5, s19  }
0x9d: {  	s8 =	simm.s32 $0x0;
	s20 =	sshll.u32 s6, $0x1;
	s6 =	sadd.s32 s21, s4  }
0x9e: {  	[timem:s8], [sflag:s22] =	dma.local [hbm:s6], s20  }
0x9f: {  	_ =	swait.ge [sflag:s22], s20  }
0xa0: {  	s5 =	ssub.s32 $0x0, s20;
	[sflag:s22] =	ssyncset.done $0x0  }
0xa1: {  	[sflag:s22] =	ssyncadd.s32 s5;
	_ =	sdelay $0x1  }
0xa2: {  	s23 =	simm.s32 $0x1B8B  }
0xa3: {  	_ =	swait.ge [sflag:s23], $0x1  }
0xa4: {  	[sflag:s23] =	ssyncset.done $0x0  }
0xa5: {  	s25 =	simm.s32 $0x1B8E;
	s24 =	sld [smem:$0x3FFE];
	[sflag:s23] =	ssyncadd.s32 $0xFFFFFFFF  }
0xa6: {  	s26 =	simm.s32 $execute0_lowered;
	[smem:$0x3FD2] =	sst s25  }
0xa7: {  	s6 =	sshll.u32 s26, $0x1;
	_ =	strace $0x80000046;
	[dreg:$0x1] =	wrdreg $0xFFFFFFFF  }
0xa8: {  	s28 =	simm.s32 $_size_execute0_lowered;
	s4 =	sadd.s32 s4, s6;
	[dreg:$0x0] =	wrdreg $0x0  }
0xa9: {  	s6 =	sshll.u32 s28, $0x1;
	[dreg:$0x2] =	wrdreg s4  }
0xaa: {  	[dreg:$0x3] =	wrdreg s6  }
0xab: {  	[dreg:$0x4] =	wrdreg $0xC0  }
0xac: {  	_ =	task [dreg:s8], $0x5FFFF  }
0xad: {  	[dreg:$0x1] =	wrdreg $0xFFFFFFFF  }
0xae: {  	[dreg:$0x0] =	wrdreg $0x60  }
0xaf: {  	[dreg:$0x2] =	wrdreg s24  }
0xb0: {  	[dreg:$0x3] =	wrdreg s2  }
0xb1: {  	[dreg:$0x4] =	wrdreg s18  }
0xb2: {  	[dreg:$0x5] =	wrdreg $0x9  }
0xb3: {  	_ =	task.clear_ibuf [dreg:s8], $0x6FFFF;
	_ =	strace $0x90000046  }
0xb4: {  	s29 =	simm.s32 $0x9;
	_ =	strace $0x80000048  }
0xb5: {  	_ =	swait.ge [sflag:s29], $0x1  }
0xb6: {  	[sflag:s29] =	ssyncadd.s32 $0xFFFFFFFF  }
0xb7: {  	_ =	strace $0x90000048  }
0xb8: {  	_ =	sfence  }
0xb9: {  	s30 =	sld [smem:$0x0];
	_ =	sdelay $0x2  }
0xba: {  	s31 =	sshll.u32 s1, $0xD;
	s1 =	sshrl.u32 s1, $0x2  }
0xbb: {  	s3 =	sand.u32 $0x4000, s31;
	s1 =	sadd.s32 s1, s30  }
0xbc: {  	s0 =	sor.u32 s3, s0;
	s1 =	sshll.u32 s1, $0x11  }
0xbd: {  	s0 =	sor.u32 s1, s0  }
0xbe: {  	s0 =	sadd.s32 $0x8F2B, s0  }
0xbf: {  	[sflag:s0] =	ssyncadd.remote.s32 $0x1  }
0xc0: {  	_ =	sfence.sel $0xFFFF  }
0xc1: {  	[dreg:$0x0] =	wrdreg $0xFFFFFFFF;
	(pc) =	sbr.abs _section_cstart, $3  }
0xc2: {  	[dreg:$0x1] =	wrdreg $0xFFFFFFFF  }
0xc3: {  	_ =	task.clear_ibuf [dreg:s8], $0x2FFFF;
	_ =	strace $0x9FFFFFFF  }
0xc4: {  	(tm) =	ssettm $0x7FFFFFFF  }
0xc5: {  	_ =	shalt  }
tec
execute0_lowered:
.L_overlay_start_1:
0x0: {  	(tag) =	ssettag $0x1  }
0x1: {  	s0 =	rddreg [dreg:$0x0]  }
0x2: {  	s1 =	srdreg.scid;
	s2 =	rddreg [dreg:$0x1]  }
0x3: {  	s9 =	stileid.u32;
	s6 =	rddreg [dreg:$0x2]  }
0x4: {  	s12 =	simm.s32 $0xF;
	s13 =	simm.s32 $0x80;
	s14 =	simm.s32 $0x1900  }
0x5: {  	s28 =	simm.s32 $0x3900;
	s29 =	simm.s32 $0x8;
	s30 =	simm.s32 $0x9  }
0x6: {  	s31 =	simm.s32 $0xA;
	s15 =	simm.s32 $0xD;
	s5 =	smul.u32 $0x3200, s9  }
0x7: {  	s1 =	sand.u32 $0x1, s1;
	s3 =	sshll.u32 s9, $0x1;
	s24 =	smul.u32 $0x32000, s9  }
0x8: {  	s16 =	simm.s32 $0xE;
	s4 =	sor.u32 s1, s3;
	s8 =	smul.u32 $0x1900, s1  }
0x9: {  	s3 =	simm.s32 $0x0;
	s7 =	ssub.s32 $0x2, s1;
	s1 =	smul.u32 $0x19000, s1  }
0xa: {  	s17 =	simm.s32 $0x0;
	s4 =	smul.u32 $0x1900, s4;
	[smem:$0x7FF] =	sst s3  }
0xb: {  	s23 =	sshrl.u32 s7, $0x1;
	s26 =	sadd.s32 s24, s6;
	_ =	strace $0x80000047  }
0xc: {  	s7 =	ssub.s32 s7, s23;
	s5 =	sadd.s32 s8, s5;
	s4 =	sshrl.u32 s4, $0x3  }
0xd: {  	s25 =	sshll.u32 s5, $0x4;
	s5 =	smax.u32 s7, $0x1;
	s0 =	sadd.s32 s4, s0  }
0xe: {  	s7 =	sadd.s32 s1, s26;
	s26 =	simm.s32 $0x1;
	s0 =	sadd.s32 $0x800, s0  }
0xf: {  	s1 =	simm.s32 $0xB;
	[dreg:$0x4] =	wrdreg s0;
	s0 =	sadd.s32 s25, s6  }
0x10: {  	s6 =	sadd.s32 $0x2C00, s0;
	s8 =	sadd.s32 $0x2400, s0;
	s9 =	sadd.s32 $0x1C00, s0  }
0x11: {  	s10 =	sadd.s32 $0x1400, s0;
	s11 =	sadd.s32 $0xC00, s0;
	s0 =	simm.s32 $0xC  }
.LBB2_1:
0x12: {  	s4 =	rddreg [dreg:$0x4]  }
0x13: {  	[tilespmem:s3], [sflag:$0xF] =	stream.linear.gather [hbm4b:s4+s3], $0x1900, $0x38;
	[tilespmem:$0x1D900] =	vst v63  }
0x14: {  	_ =	swait.ge [sflag:s12], $0x1900  }
0x15: {  	[sflag:s12] =	ssyncset.done $0x0  }
0x16: {  	[sflag:s12] =	ssyncadd.s32 $0xFFFFE700  }
0x17: {  	[tilespmem:s14], [sflag:$0x1] =	stream.indirect.gather [hbm4b:s2+s13], $0x80, s3, s13, $0xb8;
	[tilespmem:$0x1D900] =	vst v63  }
0x18: {  	s24 =	simm.s32 $0x5900  }
0x19: {  	[tilespmem:s24], [sflag:$0x2] =	stream.indirect.gather [hbm4b:s2+s13], $0x80, s13, s13, $0xb8;
	[tilespmem:$0x1D900] =	vst v63  }
0x1a: {  	s25 =	simm.s32 $0x100;
	s18 =	simm.s32 $0x9900  }
0x1b: {  	[tilespmem:s18], [sflag:$0x3] =	stream.indirect.gather [hbm4b:s2+s13], $0x80, s25, s13, $0xb8;
	[tilespmem:$0x1D900] =	vst v63  }
0x1c: {  	s19 =	simm.s32 $0xD900;
	s20 =	simm.s32 $0x200;
	s18 =	simm.s32 $0x180  }
0x1d: {  	[tilespmem:s19], [sflag:$0x4] =	stream.indirect.gather [hbm4b:s2+s13], $0x80, s18, s13, $0xb8;
	[tilespmem:$0x1D900] =	vst v63  }
0x1e: {  	s21 =	simm.s32 $0x11900;
	s22 =	simm.s32 $0x280;
	s23 =	simm.s32 $0x15900  }
0x1f: {  	[tilespmem:s21], [sflag:$0x5] =	stream.indirect.gather [hbm4b:s2+s13], $0x80, s20, s13, $0xb8;
	[tilespmem:$0x1D900] =	vst v63  }
0x20: {  	s24 =	simm.s32 $0x300;
	s25 =	simm.s32 $0x19900;
	s18 =	simm.s32 $0x600  }
0x21: {  	[tilespmem:s23], [sflag:$0x6] =	stream.indirect.gather [hbm4b:s2+s13], $0x80, s22, s13, $0xb8;
	[tilespmem:$0x1D900] =	vst v63  }
0x22: {  	s19 =	simm.s32 $0xFFFFFFFF;
	s20 =	simm.s32 $0x0;
	s21 =	simm.s32 $0x0  }
0x23: {  	[tilespmem:s25], [sflag:$0x7] =	stream.indirect.gather [hbm4b:s2+s13], $0x80, s24, s13, $0xb8;
	[tilespmem:$0x1D900] =	vst v63  }
.LBB2_2:
0x24: {  	_ =	swait.ge [sflag:s26], $0x4000  }
0x25: {  	[sflag:s26] =	ssyncset.done $0x0  }
0x26: {  	s22 =	sadd.s32 s20, s7;
	[sflag:s26] =	ssyncadd.s32 $0xFFFFC000  }
0x27: {  	[hbm4b:s22+s3] =	stream.linear.scatter [tilespmem:s14], [sflag:$0x8], $0x2000, $0x38;
	[tilespmem:$0x1D900] =	vst v63  }
0x28: {  	p0 =	sgt.u32 s19, $0x2A;
	s22 =	sadd.s32 $0x400, s22  }
0x29: {  	[hbm4b:s22+s3] =	stream.linear.scatter [tilespmem:s28], [sflag:$0x8], $0x2000, $0x38;
	[tilespmem:$0x1D900] =	vst v63  }
0x2a: {  	s22 =	simm.s32 @!p0 $0xE  }
0x2b: {  	_ =	swait.ge @!p0 [sflag:s22], $0x4000  }
0x2c: {  	s23 =	simm.s32 @!p0 $0x80;
	[sflag:s22] =	ssyncset.done @!p0 $0x0  }
0x2d: {  	s24 =	simm.s32 @!p0 $0x19900;
	[sflag:s22] =	ssyncadd.s32 @!p0 $0xFFFFC000;
	s22 =	sadd.s32 @!p0 $0xFFFFFD00, s18  }
0x2e: {  	[tilespmem:s24], [sflag:$0x7] =	stream.indirect.gather @!p0 [hbm4b:s2+s23], $0x80, s22, s23, $0xb8;
	[tilespmem:$0x1D900] =	vst v63  }
0x2f: {  	p0 =	seq.s32 s20, $0x18800  }
0x30: {  	s22 =	simm.s32 @!p0 $0x2  }
0x31: {  	_ =	swait.ge @!p0 [sflag:s22], $0x4000  }
0x32: {  	[sflag:s22] =	ssyncset.done @!p0 $0x0  }
0x33: {  	[sflag:s22] =	ssyncadd.s32 @!p0 $0xFFFFC000;
	s22 =	sadd.s32 @!p0 s20, s7  }
0x34: {  	s23 =	simm.s32 @!p0 $0x0;
	s25 =	simm.s32 @!p0 $0x5900;
	s24 =	sadd.s32 @!p0 $0x800, s22  }
0x35: {  	[hbm4b:s24+s23] =	stream.linear.scatter @!p0 [tilespmem:s25], [sflag:$0x9], $0x2000, $0x38;
	[tilespmem:$0x1D900] =	vst v63  }
0x36: {  	s24 =	sadd.s32 @!p0 s20, s11;
	s25 =	simm.s32 @!p0 $0x7900  }
0x37: {  	[hbm4b:s24+s23] =	stream.linear.scatter @!p0 [tilespmem:s25], [sflag:$0x9], $0x2000, $0x38;
	[tilespmem:$0x1D900] =	vst v63  }
0x38: {  	s24 =	simm.s32 @!p0 $0x8  }
0x39: {  	_ =	swait.ge @!p0 [sflag:s24], $0x4000  }
0x3a: {  	s4 =	simm.s32 @!p0 $0x1900;
	[sflag:s24] =	ssyncset.done @!p0 $0x0  }
0x3b: {  	s25 =	simm.s32 @!p0 $0x80;
	[sflag:s24] =	ssyncadd.s32 @!p0 $0xFFFFC000;
	s24 =	sadd.s32 @!p0 $0xFFFFFD80, s18  }
0x3c: {  	[tilespmem:s4], [sflag:$0x1] =	stream.indirect.gather @!p0 [hbm4b:s2+s25], $0x80, s24, s25, $0xb8;
	[tilespmem:$0x1D900] =	vst v63  }
0x3d: {  	s4 =	simm.s32 @!p0 $0x3  }
0x3e: {  	_ =	swait.ge @!p0 [sflag:s4], $0x4000  }
0x3f: {  	p1 =	sgt.u32 @!p0 s21, $0x5;
	[sflag:s4] =	ssyncset.done @!p0 $0x0  }
0x40: {  	s24 =	simm.s32 @!p0 $0x9900;
	[sflag:s4] =	ssyncadd.s32 @!p0 $0xFFFFC000;
	s4 =	sadd.s32 @!p0 $0x1000, s22  }
0x41: {  	[hbm4b:s4+s23] =	stream.linear.scatter @!p0 [tilespmem:s24], [sflag:$0xA], $0x2000, $0x38;
	[tilespmem:$0x1D900] =	vst v63  }
0x42: {  	p1 =	por p1, p0;
	s4 =	sadd.s32 @!p0 s20, s10;
	s24 =	simm.s32 @!p0 $0xB900  }
0x43: {  	[hbm4b:s4+s23] =	stream.linear.scatter @!p0 [tilespmem:s24], [sflag:$0xA], $0x2000, $0x38;
	[tilespmem:$0x1D900] =	vst v63  }
0x44: {  	s4 =	simm.s32 @!p1 $0x9  }
0x45: {  	_ =	swait.ge @!p1 [sflag:s4], $0x4000  }
0x46: {  	s25 =	simm.s32 @!p1 $0x5900;
	[sflag:s4] =	ssyncset.done @!p1 $0x0  }
0x47: {  	s24 =	simm.s32 @!p1 $0x80;
	[sflag:s4] =	ssyncadd.s32 @!p1 $0xFFFFC000;
	s4 =	sadd.s32 @!p1 $0xFFFFFE00, s18  }
0x48: {  	[tilespmem:s25], [sflag:$0x2] =	stream.indirect.gather @!p1 [hbm4b:s2+s24], $0x80, s4, s24, $0xb8;
	[tilespmem:$0x1D900] =	vst v63  }
0x49: {  	s4 =	simm.s32 @!p0 $0x4  }
0x4a: {  	_ =	swait.ge @!p0 [sflag:s4], $0x4000  }
0x4b: {  	[sflag:s4] =	ssyncset.done @!p0 $0x0  }
0x4c: {  	s25 =	simm.s32 @!p0 $0xD900;
	[sflag:s4] =	ssyncadd.s32 @!p0 $0xFFFFC000;
	s4 =	sadd.s32 @!p0 $0x1800, s22  }
0x4d: {  	[hbm4b:s4+s23] =	stream.linear.scatter @!p0 [tilespmem:s25], [sflag:$0xB], $0x2000, $0x38;
	[tilespmem:$0x1D900] =	vst v63  }
0x4e: {  	s4 =	sadd.s32 @!p0 s20, s9;
	s25 =	simm.s32 @!p0 $0xF900  }
0x4f: {  	[hbm4b:s4+s23] =	stream.linear.scatter @!p0 [tilespmem:s25], [sflag:$0xB], $0x2000, $0x38;
	[tilespmem:$0x1D900] =	vst v63  }
0x50: {  	s4 =	simm.s32 @!p1 $0xA  }
0x51: {  	_ =	swait.ge @!p1 [sflag:s4], $0x4000  }
0x52: {  	[sflag:s4] =	ssyncset.done @!p1 $0x0  }
0x53: {  	s25 =	simm.s32 @!p1 $0x9900;
	[sflag:s4] =	ssyncadd.s32 @!p1 $0xFFFFC000;
	s4 =	sadd.s32 @!p1 $0xFFFFFE80, s18  }
0x54: {  	[tilespmem:s25], [sflag:$0x3] =	stream.indirect.gather @!p1 [hbm4b:s2+s24], $0x80, s4, s24, $0xb8;
	[tilespmem:$0x1D900] =	vst v63  }
0x55: {  	s4 =	simm.s32 @!p0 $0x5  }
0x56: {  	_ =	swait.ge @!p0 [sflag:s4], $0x4000  }
0x57: {  	[sflag:s4] =	ssyncset.done @!p0 $0x0  }
0x58: {  	s25 =	simm.s32 @!p0 $0x11900;
	[sflag:s4] =	ssyncadd.s32 @!p0 $0xFFFFC000;
	s4 =	sadd.s32 @!p0 $0x2000, s22  }
0x59: {  	[hbm4b:s4+s23] =	stream.linear.scatter @!p0 [tilespmem:s25], [sflag:$0xC], $0x2000, $0x38;
	[tilespmem:$0x1D900] =	vst v63  }
0x5a: {  	s4 =	sadd.s32 @!p0 s20, s8;
	s25 =	simm.s32 @!p0 $0x13900  }
0x5b: {  	[hbm4b:s4+s23] =	stream.linear.scatter @!p0 [tilespmem:s25], [sflag:$0xC], $0x2000, $0x38;
	[tilespmem:$0x1D900] =	vst v63  }
0x5c: {  	s4 =	simm.s32 @!p1 $0xB  }
0x5d: {  	_ =	swait.ge @!p1 [sflag:s4], $0x4000  }
0x5e: {  	[sflag:s4] =	ssyncset.done @!p1 $0x0  }
0x5f: {  	s25 =	simm.s32 @!p1 $0xD900;
	[sflag:s4] =	ssyncadd.s32 @!p1 $0xFFFFC000;
	s4 =	sadd.s32 @!p1 $0xFFFFFF00, s18  }
0x60: {  	[tilespmem:s25], [sflag:$0x4] =	stream.indirect.gather @!p1 [hbm4b:s2+s24], $0x80, s4, s24, $0xb8;
	[tilespmem:$0x1D900] =	vst v63  }
0x61: {  	s4 =	simm.s32 @!p0 $0x6  }
0x62: {  	_ =	swait.ge @!p0 [sflag:s4], $0x4000  }
0x63: {  	[sflag:s4] =	ssyncset.done @!p0 $0x0  }
0x64: {  	s25 =	simm.s32 @!p0 $0x15900;
	[sflag:s4] =	ssyncadd.s32 @!p0 $0xFFFFC000;
	s4 =	sadd.s32 @!p0 $0x2800, s22  }
0x65: {  	[hbm4b:s4+s23] =	stream.linear.scatter @!p0 [tilespmem:s25], [sflag:$0xD], $0x2000, $0x38;
	[tilespmem:$0x1D900] =	vst v63  }
0x66: {  	s4 =	sadd.s32 @!p0 s20, s6;
	s25 =	simm.s32 @!p0 $0x17900  }
0x67: {  	[hbm4b:s4+s23] =	stream.linear.scatter @!p0 [tilespmem:s25], [sflag:$0xD], $0x2000, $0x38;
	[tilespmem:$0x1D900] =	vst v63  }
0x68: {  	s4 =	simm.s32 @!p1 $0xC  }
0x69: {  	_ =	swait.ge @!p1 [sflag:s4], $0x4000  }
0x6a: {  	[sflag:s4] =	ssyncset.done @!p1 $0x0  }
0x6b: {  	s25 =	simm.s32 @!p1 $0x11900;
	[sflag:s4] =	ssyncadd.s32 @!p1 $0xFFFFC000;
	s4 =	sadd.s32 @!p1 $0xFFFFFF80, s18  }
0x6c: {  	[tilespmem:s25], [sflag:$0x5] =	stream.indirect.gather @!p1 [hbm4b:s2+s24], $0x80, s4, s24, $0xb8;
	[tilespmem:$0x1D900] =	vst v63  }
0x6d: {  	s4 =	simm.s32 @!p0 $0x7  }
0x6e: {  	_ =	swait.ge @!p0 [sflag:s4], $0x4000  }
0x6f: {  	[sflag:s4] =	ssyncset.done @!p0 $0x0  }
0x70: {  	s25 =	simm.s32 @!p0 $0x19900;
	[sflag:s4] =	ssyncadd.s32 @!p0 $0xFFFFC000;
	s4 =	sadd.s32 @!p0 $0x3000, s22  }
0x71: {  	[hbm4b:s4+s23] =	stream.linear.scatter @!p0 [tilespmem:s25], [sflag:$0xE], $0x2000, $0x38;
	[tilespmem:$0x1D900] =	vst v63  }
0x72: {  	s4 =	sadd.s32 @!p0 $0x3400, s22;
	s22 =	simm.s32 @!p0 $0x1B900  }
0x73: {  	[hbm4b:s4+s23] =	stream.linear.scatter @!p0 [tilespmem:s22], [sflag:$0xE], $0x2000, $0x38;
	[tilespmem:$0x1D900] =	vst v63  }
0x74: {  	s4 =	simm.s32 @!p1 $0xD  }
0x75: {  	_ =	swait.ge @!p1 [sflag:s4], $0x4000  }
0x76: {  	[sflag:s4] =	ssyncset.done @!p1 $0x0  }
0x77: {  	s20 =	sadd.s32 @!p0 $0x3800, s20;
	[sflag:s4] =	ssyncadd.s32 @!p1 $0xFFFFC000;
	s4 =	simm.s32 @!p1 $0x15900  }
0x78: {  	[tilespmem:s4], [sflag:$0x6] =	stream.indirect.gather @!p1 [hbm4b:s2+s24], $0x80, s18, s24, $0xb8;
	[tilespmem:$0x1D900] =	vst v63  }
0x79: {  	p1 =	sne.s32 @!p0 s20, $0x1C000  }
0x7a: {  	p1 =	por p0, !p1  }
.Ltmp0:
0x7b: {  	_ = 	snop;
	(pc) =	sbr.rel @!p1 .LBB2_2-.Ltmp0, $2  }
0x7c: {  	_ =	sdelay $0x2  }
0x7d: {  	s21 =	sadd.s32 @!p0 $0x1, s21;
	s19 =	sadd.s32 @!p0 $0x7, s19;
	s18 =	sadd.s32 @!p0 $0x380, s18  }
0x7e: {  	_ =	swait.ge [sflag:s29], $0x4000  }
0x7f: {  	[sflag:s29] =	ssyncset.done $0x0  }
0x80: {  	[sflag:s29] =	ssyncadd.s32 $0xFFFFC000  }
0x81: {  	_ =	swait.ge [sflag:s30], $0x4000  }
0x82: {  	[sflag:s30] =	ssyncset.done $0x0  }
0x83: {  	[sflag:s30] =	ssyncadd.s32 $0xFFFFC000  }
0x84: {  	_ =	swait.ge [sflag:s31], $0x4000  }
0x85: {  	[sflag:s31] =	ssyncset.done $0x0  }
0x86: {  	[sflag:s31] =	ssyncadd.s32 $0xFFFFC000  }
0x87: {  	_ =	swait.ge [sflag:s1], $0x4000  }
0x88: {  	[sflag:s1] =	ssyncset.done $0x0  }
0x89: {  	[sflag:s1] =	ssyncadd.s32 $0xFFFFC000  }
0x8a: {  	_ =	swait.ge [sflag:s0], $0x4000  }
0x8b: {  	[sflag:s0] =	ssyncset.done $0x0  }
0x8c: {  	s17 =	sadd.s32 $0x1, s17;
	[sflag:s0] =	ssyncadd.s32 $0xFFFFC000  }
0x8d: {  	p0 =	sne.s32 s17, s5;
	_ =	swait.ge [sflag:s15], $0x4000  }
.Ltmp1:
0x8e: {  	[sflag:s15] =	ssyncset.done $0x0;
	(pc) =	sbr.rel @p0 .LBB2_1-.Ltmp1, $4  }
0x8f: {  	[sflag:s15] =	ssyncadd.s32 $0xFFFFC000  }
0x90: {  	_ =	swait.ge [sflag:s16], $0x4000  }
0x91: {  	[sflag:s16] =	ssyncset.done $0x0  }
0x92: {  	[sflag:s16] =	ssyncadd.s32 $0xFFFFC000  }
0x93: {  	_ =	sfence.sel $0x180000  }
0x94: {  	[bflag:$0x0] =	sbarrier.arrive $0xFFFF  }
0x95: {  	_ =	strace $0x90000047  }
0x96: {  	s0 =	stileid.u32;
	[bflag:$0x2] =	sbarrier.arrive $0xFFFF  }
0x97: {  	p0 =	sne.s32 s0, $0x0;
	s0 =	rddreg [dreg:$0x3]  }
0x98: {  	s0 =	sadd.s32 @!p0 $0x100000, s0  }
0x99: {  	[sflag:s0] =	ssyncadd.tile.s32 @!p0 $0x1;
	_ =	shalt  }
.Lfunc_end2:
_tile_overlayer_lowered:
.L_overlay_start_2:
0x9a: {  	(tag) =	ssettag $0x2  }
0x9b: {  	s0 =	rddreg [dreg:$0x0];
	s2 =	stileid.u32  }
0x9c: {  	s1 =	rddreg [dreg:$0x1];
	p0 =	sne.s32 s2, $0x0  }
0x9d: {  	s3 =	rddreg [dreg:$0x2];
	[bflag:$0x3] =	sbarrier.arrive $0xFFFF;
	s2 =	simm.s32 @!p0 $0x1C0F  }
0x9e: {  	[timem:s3], [sflag:s2] =	dma.local @!p0 [hbm:s0], s1  }
0x9f: {  	s0 =	simm.s32 @!p0 $0xF  }
0xa0: {  	_ =	swait.ge @!p0 [sflag:s0], s1  }
0xa1: {  	s1 =	ssub.s32 @!p0 $0x0, s1;
	[sflag:s0] =	ssyncset.done @!p0 $0x0  }
0xa2: {  	[sflag:s0] =	ssyncadd.s32 @!p0 s1  }
0xa3: {  	[bflag:$0x3] =	sbarrier.arrive $0xFFFF  }
0xa4: {  	_ =	shalt  }

// kernel: sparse-core-data-format-call.cloned.1.call-start
scs
called_computation_lowered:
.L_overlay_start_0:
0x0: {  	s2 =	sld [smem:$0x3FD9]  }
0x1: {  	s3 =	sld [smem:$0x3FFE];
	_ =	sdelay $0x1  }
0x2: {  	s1 =	srdreg.scid  }
0x3: {  	s0 =	sand.u32 $0x1, s1  }
0x4: {  	s18 =	sshll.u32 s0, $0xA;
	s2 =	sadd.s32 s3, s2  }
0x5: {  	s2 =	sadd.s32 s2, s18  }
0x6: {  	[smem:$0x3FC6] =	sst s2  }
0x7: {  	_ = 	snop  }
0x8: {  	s2 =	sld [smem:$0x3FD0];
	(tm) =	ssettm $0x1  }
0x9: {  	s19 =	sld [smem:$0x3FFB];
	_ =	sdelay $0x3  }
0xa: {  	_ =	strace s19  }
0xb: {  	s3 =	sld [smem:$0x3FFC];
	_ =	sdelay $0x3  }
0xc: {  	_ =	strace s3  }
0xd: {  	s3 =	sld [smem:$0x3FFD];
	_ =	sdelay $0x3  }
0xe: {  	_ =	strace s3  }
0xf: {  	_ =	strace $0x8FFFFFFF  }
0x10: {  	s20 =	sld [smem:$0x3FDB];
	_ =	sdelay $0x1  }
0x11: {  	s4 =	simm.s32 $_scs_section_size  }
0x12: {  	s5 =	simm.s32 $_size__tile_overlayer_lowered;
	s6 =	simm.s32 $_tile_overlayer_lowered  }
0x13: {  	s23 =	simm.s32 $0x1BFF;
	s22 =	sshll.u32 s6, $0x1;
	s3 =	sadd.s32 s4, s20  }
0x14: {  	s7 =	simm.s32 $0x0;
	s21 =	sshll.u32 s5, $0x1;
	s5 =	sadd.s32 s22, s3  }
0x15: {  	[timem:s7], [sflag:s23] =	dma.local [hbm:s5], s21  }
0x16: {  	_ =	swait.ge [sflag:s23], s21  }
0x17: {  	s4 =	ssub.s32 $0x0, s21;
	[sflag:s23] =	ssyncset.done $0x0  }
0x18: {  	[sflag:s23] =	ssyncadd.s32 s4;
	_ =	sdelay $0x1  }
0x19: {  	s24 =	simm.s32 $0x1B8B  }
0x1a: {  	_ =	swait.ge [sflag:s24], $0x1  }
0x1b: {  	[sflag:s24] =	ssyncset.done $0x0  }
0x1c: {  	s26 =	simm.s32 $0x1B8E;
	s25 =	sld [smem:$0x3FFE];
	[sflag:s24] =	ssyncadd.s32 $0xFFFFFFFF  }
0x1d: {  	s27 =	simm.s32 $execute0_lowered;
	[smem:$0x3FD2] =	sst s26  }
0x1e: {  	s5 =	sshll.u32 s27, $0x1;
	_ =	strace $0x80000049;
	[dreg:$0x1] =	wrdreg $0xFFFFFFFF  }
0x1f: {  	s28 =	simm.s32 $_size_execute0_lowered;
	s3 =	sadd.s32 s3, s5;
	[dreg:$0x0] =	wrdreg $0x0  }
0x20: {  	s5 =	sshll.u32 s28, $0x1;
	[dreg:$0x2] =	wrdreg s3  }
0x21: {  	[dreg:$0x3] =	wrdreg s5  }
0x22: {  	[dreg:$0x4] =	wrdreg $0xC0  }
0x23: {  	_ =	task [dreg:s7], $0x5FFFF  }
0x24: {  	[dreg:$0x1] =	wrdreg $0xFFFFFFFF  }
0x25: {  	[dreg:$0x0] =	wrdreg $0x60  }
0x26: {  	[dreg:$0x2] =	wrdreg s25  }
0x27: {  	[dreg:$0x3] =	wrdreg s2  }
0x28: {  	[dreg:$0x4] =	wrdreg $0x9  }
0x29: {  	_ =	task.clear_ibuf [dreg:s7], $0x5FFFF;
	_ =	strace $0x90000049  }
0x2a: {  	s29 =	simm.s32 $0x9;
	_ =	strace $0x8000004B  }
0x2b: {  	_ =	swait.ge [sflag:s29], $0x1  }
0x2c: {  	[sflag:s29] =	ssyncadd.s32 $0xFFFFFFFF  }
0x2d: {  	_ =	strace $0x9000004B  }
0x2e: {  	_ =	sfence  }
0x2f: {  	s30 =	sld [smem:$0x0];
	_ =	sdelay $0x2  }
0x30: {  	s31 =	sshll.u32 s1, $0xD;
	s1 =	sshrl.u32 s1, $0x2  }
0x31: {  	s3 =	sand.u32 $0x4000, s31;
	s1 =	sadd.s32 s1, s30  }
0x32: {  	s0 =	sor.u32 s3, s0;
	s1 =	sshll.u32 s1, $0x11  }
0x33: {  	s0 =	sor.u32 s1, s0  }
0x34: {  	s0 =	sadd.s32 $0x8F2B, s0  }
0x35: {  	[sflag:s0] =	ssyncadd.remote.s32 $0x1  }
0x36: {  	_ =	sfence.sel $0xFFFF  }
0x37: {  	[dreg:$0x0] =	wrdreg $0xFFFFFFFF;
	(pc) =	sbr.abs _section_cstart, $3  }
0x38: {  	[dreg:$0x1] =	wrdreg $0xFFFFFFFF  }
0x39: {  	_ =	task.clear_ibuf [dreg:s7], $0x2FFFF;
	_ =	strace $0x9FFFFFFF  }
0x3a: {  	(tm) =	ssettm $0x7FFFFFFF  }
0x3b: {  	_ =	shalt  }
tec
execute0_lowered:
.L_overlay_start_1:
0x0: {  	(tag) =	ssettag $0x1  }
0x1: {  	s0 =	srdreg.scid  }
0x2: {  	s1 =	sshll.u32 s0, $0x4  }
0x3: {  	s0 =	stileid.u32;
	s1 =	sand.u32 $0x10, s1  }
0x4: {  	s1 =	sor.u32 s0, s1  }
0x5: {  	s6 =	rddreg [dreg:$0x0];
	s4 =	simm.s32 $0x1;
	s2 =	sshll.u32 s1, $0x6  }
0x6: {  	s7 =	simm.s32 $0x2;
	s13 =	simm.s32 $0x0;
	s1 =	ssub.s32 $0x1000, s2  }
0x7: {  	s8 =	simm.s32 $0x2000;
	s9 =	simm.s32 $0x80000;
	s3 =	sand.u32 $0x7C0, s1  }
0x8: {  	s14 =	simm.s32 $0x0;
	s5 =	sshrl.u32 s1, $0xB;
	p0 =	sne.s32 s3, $0x0  }
.Ltmp0:
0x9: {  	s1 =	rddreg [dreg:$0x2];
	s4 =	simm.s32 @!p0 $0x0;
	(pc) =	sbr.rel .LBB1_1-.Ltmp0, $4  }
0xa: {  	s10 =	simm.s32 $0x0;
	s3 =	rddreg [dreg:$0x1];
	s5 =	sadd.s32 s4, s5  }
0xb: {  	_ =	strace $0x8000004A;
	s4 =	simm.s32 $0x1;
	s5 =	smul.u32 $0x19, s5  }
0xc: {  	s12 =	simm.s32 $0x0;
	s6 =	sadd.s32 $0x800, s6;
	[sflag:s4] =	ssyncpa.u1 $0x0  }
0xd: {  	s11 =	smov.u32 s2;
	[sflag:s7] =	ssyncpa.u1 $0x0;
	s7 =	sadd.s32 $0x1, s5  }
.LBB1_7:
0xe: {  	s15 =	sadd.s32 $0x2, s10  }
0xf: {  	s13 =	sadd.s32 $0x800, s11;
	s17 =	smov.u32 s11;
	p1 =	sgt.s32 s15, $0x31  }
0x10: {  	s17 =	smov.u32 @p1 s13  }
0x11: {  	s15 =	simm.s32 @p1 $0x0;
	p1 =	sgt.s32 s17, $0xFFF  }
0x12: {  	s17 =	smov.u32 @p1 s2;
	p1 =	sne.s32 s12, s7  }
.Ltmp1:
0x13: {  	p0 =	slt.u32 s12, $0x2;
	(pc) =	sbr.rel @!p1 .LBB1_8-.Ltmp1, $4  }
0x14: {  	s16 =	simm.s32 @!p0 $0x2  }
0x15: {  	s14 =	smov.u32 s11;
	_ =	swait.ge @!p0 [sflag:s16], $0x4000  }
0x16: {  	s13 =	smov.u32 s10;
	[sflag:s16] =	ssyncset.done @!p0 $0x0;
	s10 =	smov.u32 s15  }
0x17: {  	s12 =	sadd.s32 $0x1, s12;
	[sflag:s16] =	ssyncadd.s32 @!p0 $0xFFFFC000;
	s11 =	smov.u32 s17  }
.LBB1_1:
0x18: {  	p0 =	sge.u32 s12, s5  }
0x19: {  	s15 =	sand.u32 @!p0 $0x1FFFFFF, s10  }
0x1a: {  	s16 =	smulhi.u32 @!p0 $0x4924925, s15;
	_ =	sdelay $0x1  }
0x1b: {  	s16 =	smul.u32 @!p0 $0x38, s16  }
0x1c: {  	s17 =	sxor.u32 @!p0 $0xFFFFFFFF, s12;
	s18 =	smul.u32 @!p0 $0x380, s11  }
0x1d: {  	s31 =	sadd.s32 $0xFFFFFFFF, s12;
	s17 =	sshll.u32 @!p0 s17, $0xE;
	s15 =	ssub.s32 @!p0 s15, s16  }
0x1e: {  	s16 =	sand.u32 @!p0 $0x4000, s17;
	s17 =	sadd.s32 @!p0 s6, s18;
	s15 =	sshll.u32 @!p0 s15, $0x4  }
0x1f: {  	s18 =	simm.s32 @!p0 $0x1C00;
	s15 =	sadd.s32 @!p0 s15, s17;
	s17 =	simm.s32 @!p0 $0x100  }
0x20: {  	[tilespmem:s16], [sflag:$0x1] =	stream.strided.gather @!p0 [hbm4b:s15+s17], $0x4000, s18, s17, $0x38;
	[tilespmem:$0x10000] =	vst v63  }
0x21: {  	p0 =	sge.u32 s31, s5  }
.Ltmp2:
0x22: {  	_ = 	snop;
	(pc) =	sbr.rel @p0 .LBB1_7-.Ltmp2, $1  }
0x23: {  	_ =	sdelay $0x3  }
0x24: {  	_ =	swait.ge [sflag:s4], $0x4000;
	s15 =	sshll.u32 s12, $0xE  }
0x25: {  	[sflag:s4] =	ssyncset.done $0x0;
	s16 =	sand.u32 $0x4000, s15  }
0x26: {  	s17 =	simm.s32 $0x0;
	[sflag:s4] =	ssyncadd.s32 $0xFFFFC000;
	s15 =	sor.u32 $0x8000, s16  }
.LBB1_3:
0x27: {  	s18 =	sshll.u32 s17, $0x8  }
0x28: {  	s18 =	sand.u32 $0x3FFFFF00, s18  }
0x29: {  	s19 =	sshll.u32 s17, $0x7;
	s18 =	sadd.s32 s18, s16  }
0x2a: {  	s19 =	sand.u32 $0x3FFFFF80, s19;
	v0 =	vmov s18  }
0x2b: {  	s19 =	sadd.s32 s19, s15  }
0x2c: {  	p0 =	por $0x1, $0x1;
	v1 =	vmov s19;
	s18 =	simm.s32 $0x0  }
.LBB1_4:
0x2d: {  	s19 =	sshll.u32 s18, $0x7  }
0x2e: {  	s19 =	sand.u32 $0x3FFFFF80, s19  }
0x2f: {  	v2 =	vld.idx.msk [tilespmem:v0+s19+$0x0 ss:$0x1], $0xffff  }
0x30: {  	v3 =	vld.idx.msk [tilespmem:v0+s19+$0x10 ss:$0x1], $0xffff  }
0x31: {  	v4 =	vld.idx.msk [tilespmem:v0+s19+$0x20 ss:$0x1], $0xffff  }
0x32: {  	s31 =	sshll.u32 s18, $0xD;
	v5 =	vld.idx.msk [tilespmem:v0+s19+$0x30 ss:$0x1], $0xffff  }
0x33: {  	s18 =	sand.u32 $0x3FFFE000, s31;
	v6 =	vld.idx.msk [tilespmem:v0+s19+$0x40 ss:$0x1], $0xffff  }
0x34: {  	v63 =	vld.idx.msk [tilespmem:v0+s19+$0x70 ss:$0x1], $0xffff;
	[tilespmem:v1+s18+$0x0 ss:$0x1] =	vst.idx.msk $0xffff, v2  }
0x35: {  	v2 =	vld.idx.msk [tilespmem:v0+s19+$0x50 ss:$0x1], $0xffff;
	[tilespmem:v1+s18+$0x10 ss:$0x1] =	vst.idx.msk $0xffff, v3  }
0x36: {  	p1 =	por p0, p0;
	v3 =	vld.idx.msk [tilespmem:v0+s19+$0x60 ss:$0x1], $0xffff;
	[tilespmem:v1+s18+$0x20 ss:$0x1] =	vst.idx.msk $0xffff, v4  }
.Ltmp3:
0x37: {  	[tilespmem:v1+s18+$0x30 ss:$0x1] =	vst.idx.msk $0xffff, v5;
	(pc) =	sbr.rel @p1 .LBB1_4-.Ltmp3, $4  }
0x38: {  	[tilespmem:v1+s18+$0x40 ss:$0x1] =	vst.idx.msk $0xffff, v6  }
0x39: {  	[tilespmem:v1+s18+$0x70 ss:$0x1] =	vst.idx.msk $0xffff, v63  }
0x3a: {  	[tilespmem:v1+s18+$0x50 ss:$0x1] =	vst.idx.msk $0xffff, v2  }
0x3b: {  	p0 =	por $0x0, $0x0;
	[tilespmem:v1+s18+$0x60 ss:$0x1] =	vst.idx.msk $0xffff, v3;
	s18 =	simm.s32 $0x1  }
0x3c: {  	s17 =	sadd.s32 $0x1, s17  }
0x3d: {  	p0 =	sne.s32 s17, $0x40  }
.Ltmp4:
0x3e: {  	_ = 	snop;
	(pc) =	sbr.rel @p0 .LBB1_3-.Ltmp4, $1  }
0x3f: {  	_ =	sdelay $0x3  }
.Ltmp5:
0x40: {  	s14 =	sshll.u32 s14, $0x4;
	(pc) =	sbr.rel .LBB1_7-.Ltmp5, $4  }
0x41: {  	s14 =	sand.u32 $0xFFF0, s14  }
0x42: {  	s13 =	sshll.u32 s13, $0x10;
	s14 =	sadd.s32 s3, s14  }
0x43: {  	s13 =	sadd.s32 s13, s14  }
0x44: {  	[hbm4b:s13+s8] =	stream.strided.scatter [tilespmem:s15], [sflag:$0x2], $0x4000, s9, s8, $0x38;
	[tilespmem:$0x10000] =	vst v63  }
.LBB1_8:
0x45: {  	_ =	sfence.sel $0x180000  }
0x46: {  	s2 =	simm.s32 $0x1;
	[bflag:$0x0] =	sbarrier.arrive $0xFFFF  }
0x47: {  	s31 =	simm.s32 $0x2;
	[sflag:s2] =	ssyncpa.u1 $0x1  }
0x48: {  	[sflag:s31] =	ssyncpa.u1 $0x1  }
0x49: {  	p0 =	sne.s32 s0, $0x0;
	_ =	strace $0x9000004A  }
0x4a: {  	s0 =	sadd.s32 @!p0 $0x100000, s1;
	[bflag:$0x2] =	sbarrier.arrive $0xFFFF  }
0x4b: {  	[sflag:s0] =	ssyncadd.tile.s32 @!p0 $0x1;
	_ =	shalt  }
.Lfunc_end1:
_tile_overlayer_lowered:
.L_overlay_start_2:
0x4c: {  	(tag) =	ssettag $0x2  }
0x4d: {  	s0 =	rddreg [dreg:$0x0];
	s2 =	stileid.u32  }
0x4e: {  	s1 =	rddreg [dreg:$0x1];
	p0 =	sne.s32 s2, $0x0  }
0x4f: {  	s3 =	rddreg [dreg:$0x2];
	[bflag:$0x3] =	sbarrier.arrive $0xFFFF;
	s2 =	simm.s32 @!p0 $0x1C01  }
0x50: {  	[timem:s3], [sflag:s2] =	dma.local @!p0 [hbm:s0], s1  }
0x51: {  	s0 =	simm.s32 @!p0 $0x1  }
0x52: {  	_ =	swait.ge @!p0 [sflag:s0], s1  }
0x53: {  	s1 =	ssub.s32 @!p0 $0x0, s1;
	[sflag:s0] =	ssyncset.done @!p0 $0x0  }
0x54: {  	[sflag:s0] =	ssyncadd.s32 @!p0 s1  }
0x55: {  	[bflag:$0x3] =	sbarrier.arrive $0xFFFF  }
0x56: {  	_ =	shalt  }

</sc_bundles>
